<compile_context>
chip_gen: v7x
topology: tpu7x:2x2x1
jax: 0.10.2.dev20260603
libtpu: 0.0.44.dev20260713+nightly
codegen_flags: <defaults>
</compile_context>

<pallas_src>
import jax
import jax.numpy as jnp
from jax import lax
from jax.experimental import pallas as pl
from jax.experimental.pallas import tpu as pltpu
from jax.experimental.pallas import tpu_sc as plsc

VOCAB = 100000
EMBED_DIM = 1024
MAX_POS = 8192
BATCH = 4
SEQLEN = 8192

NC = 2
NS = 16
NW = NC * NS

N_ROWS = BATCH * SEQLEN
ROWS_PER_W = N_ROWS // NW
CHUNK = 16
N_CHUNKS = ROWS_PER_W // CHUNK
SEQ_PER_W = SEQLEN // NW
POS_CHUNKS = SEQ_PER_W // CHUNK
NSW = 5
NSP = 2
AHEAD = NSW - 2

UNROLL = 8
VECS_PER_ROW = EMBED_DIM // 16


def _sc_body(ids_hbm, wt_hbm, pt_hbm, out_hbm, idx_v, buf_w, buf_p, sem_g, sem_p, sem_s):
    wid = lax.axis_index("s") * NC + lax.axis_index("c")
    seq0 = wid * SEQ_PER_W

    for b in range(BATCH):
        pltpu.make_async_copy(
            ids_hbm.at[b, pl.ds(seq0, SEQ_PER_W)], idx_v.at[b], sem_g.at[b % NSW]
        ).start()
    for b in range(BATCH):
        pltpu.make_async_copy(
            ids_hbm.at[b, pl.ds(seq0, SEQ_PER_W)], idx_v.at[b], sem_g.at[b % NSW]
        ).wait()

    def gather_copy(i):
        c = lax.div(i, BATCH)
        b = lax.rem(i, BATCH)
        return pltpu.make_async_copy(
            wt_hbm.at[idx_v.at[b, pl.ds(c * CHUNK, CHUNK)]],
            buf_w.at[lax.rem(i, NSW)],
            sem_g.at[lax.rem(i, NSW)],
        )

    def pos_copy(c):
        return pltpu.make_async_copy(
            pt_hbm.at[pl.ds(seq0 + c * CHUNK, CHUNK)],
            buf_p.at[lax.rem(c, NSP)],
            sem_p.at[lax.rem(c, NSP)],
        )

    def store_copy(i):
        c = lax.div(i, BATCH)
        b = lax.rem(i, BATCH)
        return pltpu.make_async_copy(
            buf_w.at[lax.rem(i, NSW)],
            out_hbm.at[pl.ds(b * SEQLEN + seq0 + c * CHUNK, CHUNK)],
            sem_s.at[lax.rem(i, NSW)],
        )

    for j in range(AHEAD):
        gather_copy(j).start()
    pos_copy(0).start()

    def chunk_body(i, carry):
        sw = lax.rem(i, NSW)
        c = lax.div(i, BATCH)
        b = lax.rem(i, BATCH)
        sp = lax.rem(c, NSP)
        gather_copy(i).wait()

        @pl.when(b == 0)
        def _():
            pos_copy(c).wait()

        @pl.when((b == 2) & (c + 1 < POS_CHUNKS))
        def _():
            pos_copy(c + 1).start()

        def add_row(r, c2):
            @plsc.parallel_loop(0, EMBED_DIM, step=16, unroll=UNROLL)
            def _(col0):
                col = pl.multiple_of(col0, 16)
                plsc.addupdate(
                    buf_w.at[sw, r, pl.ds(col, 16)],
                    buf_p[sp, r, pl.ds(col, 16)],
                )

            return c2

        lax.fori_loop(0, CHUNK, add_row, 0)

        store_copy(i).start()

        @pl.when(i + AHEAD < N_CHUNKS)
        def _():
            @pl.when(i + AHEAD >= NSW)
            def _():
                store_copy(i + AHEAD - NSW).wait()

            gather_copy(i + AHEAD).start()

        return carry

    lax.fori_loop(0, N_CHUNKS, chunk_body, 0)

    for j in range(max(0, N_CHUNKS - NSW), N_CHUNKS):
        store_copy(j).wait()


@jax.jit
def _embed(ids_flat, word_table, pos_table):
    mesh = plsc.VectorSubcoreMesh(
        core_axis_name="c", subcore_axis_name="s", num_cores=NC, num_subcores=NS
    )
    kfn = pl.kernel(
        _sc_body,
        out_type=jax.ShapeDtypeStruct((N_ROWS, EMBED_DIM), jnp.float32),
        mesh=mesh,
        scratch_types=[
            pltpu.VMEM((BATCH, SEQ_PER_W), jnp.int32),
            pltpu.VMEM((NSW, CHUNK, EMBED_DIM), jnp.float32),
            pltpu.VMEM((NSP, CHUNK, EMBED_DIM), jnp.float32),
            pltpu.SemaphoreType.DMA((NSW,)),
            pltpu.SemaphoreType.DMA((NSP,)),
            pltpu.SemaphoreType.DMA((NSW,)),
        ],
    )
    return kfn(ids_flat, word_table, pos_table)


def kernel(input_ids, word_table, pos_table):
    out = _embed(input_ids.astype(jnp.int32), word_table, pos_table)
    return out.reshape(BATCH, SEQLEN, EMBED_DIM)

# --- scband reference (transcript-rebuilt; emitter-appended) ---
"""Pipeline reference for scband-parallel-gpt2-embeddings-37950331027647 (READ-ONLY COPY).

The authoritative reference and input builder live on the scoring server;
editing this copy changes nothing except your own understanding.
"""

import jax, jax.numpy as jnp
import numpy as np

VOCAB = 100000
EMBED_DIM = 1024
MAX_POS = 8192
BATCH = 4
SEQLEN = 8192


def setup_inputs(seed: int = 0) -> dict:
    key = jax.random.key(seed)
    k1, k2, k3 = jax.random.split(key, 3)
    input_ids = jax.random.randint(k1, (BATCH, SEQLEN), 0, VOCAB, dtype=jnp.int64 if jax.config.jax_enable_x64 else jnp.int32)
    word_table = jax.random.normal(k2, (VOCAB, EMBED_DIM), dtype=jnp.float32) * 0.02
    pos_table = jax.random.normal(k3, (MAX_POS, EMBED_DIM), dtype=jnp.float32) * 0.02
    return {"input_ids": input_ids, "word_table": word_table, "pos_table": pos_table}


def reference(input_ids, word_table, pos_table):
    # world_size <= 1 path of ParallelGPT2Embeddings.forward
    batch_size, seqlen = input_ids.shape
    # VocabParallelEmbedding -> plain embedding gather when world_size == 1
    embeddings = jnp.take(word_table, input_ids, axis=0)  # (B, S, D)
    # position_ids defaults to arange(seqlen)
    position_ids = jnp.arange(seqlen)
    position_embeddings = jnp.take(pos_table, position_ids, axis=0)  # (S, D)
    embeddings = embeddings + position_embeddings[None, :, :]
    # combine_batch_seqlen_dim=False, sequence_parallel reduce skipped (world_size==1)
    return embeddings

if __name__ == "__main__":
    import jax
    _d = setup_inputs()
    print(jax.jit(kernel)(*tuple(_d.values())))

</pallas_src>

<mosaic_0001>
#map = affine_map<(d0, d1) -> (0, 0)>
module attributes {stable_mosaic.version = 14 : i64} {
  func.func @_sc_body(%arg0: i32, %arg1: i32, %arg2: memref<4x8192xi32, #tpu.memory_space<hbm>>, %arg3: memref<100000x1024xf32, #tpu.memory_space<hbm>>, %arg4: memref<8192x1024xf32, #tpu.memory_space<hbm>>, %arg5: memref<32768x1024xf32, #tpu.memory_space<hbm>>, %arg6: memref<4x256xi32, #tpu.memory_space<vmem>>, %arg7: memref<5x16x1024xf32, #tpu.memory_space<vmem>>, %arg8: memref<2x16x1024xf32, #tpu.memory_space<vmem>>, %arg9: memref<5x!tpu.dma_semaphore, #tpu.memory_space<semaphore_mem>>, %arg10: memref<2x!tpu.dma_semaphore, #tpu.memory_space<semaphore_mem>>, %arg11: memref<5x!tpu.dma_semaphore, #tpu.memory_space<semaphore_mem>>) attributes {dimension_semantics = [#tpu.dimension_semantics<core_parallel>, #tpu.dimension_semantics<subcore_parallel>], iteration_bounds = array<i64: 2, 16>, scalar_prefetch = 0 : i64, scratch_operands = 6 : i64, tpu.core_type = #tpu.core_type<sc_vector_subcore>, window_params = [{transform_indices = #map}, {transform_indices = #map}, {transform_indices = #map}, {transform_indices = #map}]} {
    %mul3A = arith.constant 2 : i32
    %mul3A_0 = arith.muli %arg1, %mul3A : i32
    %add3A = arith.addi %mul3A_0, %arg0 : i32
    %mul3A_1 = arith.constant 256 : i32
    %mul3A_2 = arith.muli %add3A, %mul3A_1 : i32
    %dma_start3A = arith.constant 0 : i32
    %dma_start3A_3 = arith.constant 0 : i32
    %dma_start3A_4 = arith.constant 0 : i32
    %dma_start3A_5 = arith.constant 0 : i32
    %dma_start3A_6 = tpu.memref_slice %arg6[%dma_start3A_3, %dma_start3A_5] : memref<4x256xi32, #tpu.memory_space<vmem>> -> memref<1x256xi32, #tpu.memory_space<vmem>>
    %dma_start3A_7 = tpu.memref_squeeze %dma_start3A_6 : memref<1x256xi32, #tpu.memory_space<vmem>> -> memref<256xi32, #tpu.memory_space<vmem>>
    %dma_start3A_8 = tpu.memref_slice %arg2[%dma_start3A, %mul3A_2] : memref<4x8192xi32, #tpu.memory_space<hbm>> -> memref<1x256xi32, #tpu.memory_space<hbm>>
    %dma_start3A_9 = tpu.memref_squeeze %dma_start3A_8 : memref<1x256xi32, #tpu.memory_space<hbm>> -> memref<256xi32, #tpu.memory_space<hbm>>
    %dma_start3A_10 = tpu.memref_slice %arg9[%dma_start3A_4] : memref<5x!tpu.dma_semaphore, #tpu.memory_space<semaphore_mem>> -> memref<1x!tpu.dma_semaphore, #tpu.memory_space<semaphore_mem>>
    %dma_start3A_11 = tpu.memref_squeeze %dma_start3A_10 : memref<1x!tpu.dma_semaphore, #tpu.memory_space<semaphore_mem>> -> memref<!tpu.dma_semaphore, #tpu.memory_space<semaphore_mem>>
    %dma_start3A_12 = arith.constant 0 : i32
    %dma_start3A_13 = tpu.memref_slice %arg6[%dma_start3A_3, %dma_start3A_12] : memref<4x256xi32, #tpu.memory_space<vmem>> -> memref<1x256xi32, #tpu.memory_space<vmem>>
    %dma_start3A_14 = tpu.memref_squeeze %dma_start3A_13 : memref<1x256xi32, #tpu.memory_space<vmem>> -> memref<256xi32, #tpu.memory_space<vmem>>
    %dma_start3A_15 = tpu.memref_slice %arg2[%dma_start3A, %mul3A_2] : memref<4x8192xi32, #tpu.memory_space<hbm>> -> memref<1x256xi32, #tpu.memory_space<hbm>>
    %dma_start3A_16 = tpu.memref_squeeze %dma_start3A_15 : memref<1x256xi32, #tpu.memory_space<hbm>> -> memref<256xi32, #tpu.memory_space<hbm>>
    tpu.enqueue_dma source(%dma_start3A_16 : memref<256xi32, #tpu.memory_space<hbm>>) target(%dma_start3A_14 : memref<256xi32, #tpu.memory_space<vmem>>) target_semaphore(%dma_start3A_11 : memref<!tpu.dma_semaphore, #tpu.memory_space<semaphore_mem>>)
    %dma_start3A_17 = arith.constant 1 : i32
    %dma_start3A_18 = arith.constant 1 : i32
    %dma_start3A_19 = arith.constant 1 : i32
    %dma_start3A_20 = arith.constant 0 : i32
    %dma_start3A_21 = tpu.memref_slice %arg6[%dma_start3A_18, %dma_start3A_20] : memref<4x256xi32, #tpu.memory_space<vmem>> -> memref<1x256xi32, #tpu.memory_space<vmem>>
    %dma_start3A_22 = tpu.memref_squeeze %dma_start3A_21 : memref<1x256xi32, #tpu.memory_space<vmem>> -> memref<256xi32, #tpu.memory_space<vmem>>
    %dma_start3A_23 = tpu.memref_slice %arg2[%dma_start3A_17, %mul3A_2] : memref<4x8192xi32, #tpu.memory_space<hbm>> -> memref<1x256xi32, #tpu.memory_space<hbm>>
    %dma_start3A_24 = tpu.memref_squeeze %dma_start3A_23 : memref<1x256xi32, #tpu.memory_space<hbm>> -> memref<256xi32, #tpu.memory_space<hbm>>
    %dma_start3A_25 = tpu.memref_slice %arg9[%dma_start3A_19] : memref<5x!tpu.dma_semaphore, #tpu.memory_space<semaphore_mem>> -> memref<1x!tpu.dma_semaphore, #tpu.memory_space<semaphore_mem>>
    %dma_start3A_26 = tpu.memref_squeeze %dma_start3A_25 : memref<1x!tpu.dma_semaphore, #tpu.memory_space<semaphore_mem>> -> memref<!tpu.dma_semaphore, #tpu.memory_space<semaphore_mem>>
    %dma_start3A_27 = arith.constant 0 : i32
    %dma_start3A_28 = tpu.memref_slice %arg6[%dma_start3A_18, %dma_start3A_27] : memref<4x256xi32, #tpu.memory_space<vmem>> -> memref<1x256xi32, #tpu.memory_space<vmem>>
    %dma_start3A_29 = tpu.memref_squeeze %dma_start3A_28 : memref<1x256xi32, #tpu.memory_space<vmem>> -> memref<256xi32, #tpu.memory_space<vmem>>
    %dma_start3A_30 = tpu.memref_slice %arg2[%dma_start3A_17, %mul3A_2] : memref<4x8192xi32, #tpu.memory_space<hbm>> -> memref<1x256xi32, #tpu.memory_space<hbm>>
    %dma_start3A_31 = tpu.memref_squeeze %dma_start3A_30 : memref<1x256xi32, #tpu.memory_space<hbm>> -> memref<256xi32, #tpu.memory_space<hbm>>
    tpu.enqueue_dma source(%dma_start3A_31 : memref<256xi32, #tpu.memory_space<hbm>>) target(%dma_start3A_29 : memref<256xi32, #tpu.memory_space<vmem>>) target_semaphore(%dma_start3A_26 : memref<!tpu.dma_semaphore, #tpu.memory_space<semaphore_mem>>)
    %dma_start3A_32 = arith.constant 2 : i32
    %dma_start3A_33 = arith.constant 2 : i32
    %dma_start3A_34 = arith.constant 2 : i32
    %dma_start3A_35 = arith.constant 0 : i32
    %dma_start3A_36 = tpu.memref_slice %arg6[%dma_start3A_33, %dma_start3A_35] : memref<4x256xi32, #tpu.memory_space<vmem>> -> memref<1x256xi32, #tpu.memory_space<vmem>>
    %dma_start3A_37 = tpu.memref_squeeze %dma_start3A_36 : memref<1x256xi32, #tpu.memory_space<vmem>> -> memref<256xi32, #tpu.memory_space<vmem>>
    %dma_start3A_38 = tpu.memref_slice %arg2[%dma_start3A_32, %mul3A_2] : memref<4x8192xi32, #tpu.memory_space<hbm>> -> memref<1x256xi32, #tpu.memory_space<hbm>>
    %dma_start3A_39 = tpu.memref_squeeze %dma_start3A_38 : memref<1x256xi32, #tpu.memory_space<hbm>> -> memref<256xi32, #tpu.memory_space<hbm>>
    %dma_start3A_40 = tpu.memref_slice %arg9[%dma_start3A_34] : memref<5x!tpu.dma_semaphore, #tpu.memory_space<semaphore_mem>> -> memref<1x!tpu.dma_semaphore, #tpu.memory_space<semaphore_mem>>
    %dma_start3A_41 = tpu.memref_squeeze %dma_start3A_40 : memref<1x!tpu.dma_semaphore, #tpu.memory_space<semaphore_mem>> -> memref<!tpu.dma_semaphore, #tpu.memory_space<semaphore_mem>>
    %dma_start3A_42 = arith.constant 0 : i32
    %dma_start3A_43 = tpu.memref_slice %arg6[%dma_start3A_33, %dma_start3A_42] : memref<4x256xi32, #tpu.memory_space<vmem>> -> memref<1x256xi32, #tpu.memory_space<vmem>>
    %dma_start3A_44 = tpu.memref_squeeze %dma_start3A_43 : memref<1x256xi32, #tpu.memory_space<vmem>> -> memref<256xi32, #tpu.memory_space<vmem>>
    %dma_start3A_45 = tpu.memref_slice %arg2[%dma_start3A_32, %mul3A_2] : memref<4x8192xi32, #tpu.memory_space<hbm>> -> memref<1x256xi32, #tpu.memory_space<hbm>>
    %dma_start3A_46 = tpu.memref_squeeze %dma_start3A_45 : memref<1x256xi32, #tpu.memory_space<hbm>> -> memref<256xi32, #tpu.memory_space<hbm>>
    tpu.enqueue_dma source(%dma_start3A_46 : memref<256xi32, #tpu.memory_space<hbm>>) target(%dma_start3A_44 : memref<256xi32, #tpu.memory_space<vmem>>) target_semaphore(%dma_start3A_41 : memref<!tpu.dma_semaphore, #tpu.memory_space<semaphore_mem>>)
    %dma_start3A_47 = arith.constant 3 : i32
    %dma_start3A_48 = arith.constant 3 : i32
    %dma_start3A_49 = arith.constant 3 : i32
    %dma_start3A_50 = arith.constant 0 : i32
    %dma_start3A_51 = tpu.memref_slice %arg6[%dma_start3A_48, %dma_start3A_50] : memref<4x256xi32, #tpu.memory_space<vmem>> -> memref<1x256xi32, #tpu.memory_space<vmem>>
    %dma_start3A_52 = tpu.memref_squeeze %dma_start3A_51 : memref<1x256xi32, #tpu.memory_space<vmem>> -> memref<256xi32, #tpu.memory_space<vmem>>
    %dma_start3A_53 = tpu.memref_slice %arg2[%dma_start3A_47, %mul3A_2] : memref<4x8192xi32, #tpu.memory_space<hbm>> -> memref<1x256xi32, #tpu.memory_space<hbm>>
    %dma_start3A_54 = tpu.memref_squeeze %dma_start3A_53 : memref<1x256xi32, #tpu.memory_space<hbm>> -> memref<256xi32, #tpu.memory_space<hbm>>
    %dma_start3A_55 = tpu.memref_slice %arg9[%dma_start3A_49] : memref<5x!tpu.dma_semaphore, #tpu.memory_space<semaphore_mem>> -> memref<1x!tpu.dma_semaphore, #tpu.memory_space<semaphore_mem>>
    %dma_start3A_56 = tpu.memref_squeeze %dma_start3A_55 : memref<1x!tpu.dma_semaphore, #tpu.memory_space<semaphore_mem>> -> memref<!tpu.dma_semaphore, #tpu.memory_space<semaphore_mem>>
    %dma_start3A_57 = arith.constant 0 : i32
    %dma_start3A_58 = tpu.memref_slice %arg6[%dma_start3A_48, %dma_start3A_57] : memref<4x256xi32, #tpu.memory_space<vmem>> -> memref<1x256xi32, #tpu.memory_space<vmem>>
    %dma_start3A_59 = tpu.memref_squeeze %dma_start3A_58 : memref<1x256xi32, #tpu.memory_space<vmem>> -> memref<256xi32, #tpu.memory_space<vmem>>
    %dma_start3A_60 = tpu.memref_slice %arg2[%dma_start3A_47, %mul3A_2] : memref<4x8192xi32, #tpu.memory_space<hbm>> -> memref<1x256xi32, #tpu.memory_space<hbm>>
    %dma_start3A_61 = tpu.memref_squeeze %dma_start3A_60 : memref<1x256xi32, #tpu.memory_space<hbm>> -> memref<256xi32, #tpu.memory_space<hbm>>
    tpu.enqueue_dma source(%dma_start3A_61 : memref<256xi32, #tpu.memory_space<hbm>>) target(%dma_start3A_59 : memref<256xi32, #tpu.memory_space<vmem>>) target_semaphore(%dma_start3A_56 : memref<!tpu.dma_semaphore, #tpu.memory_space<semaphore_mem>>)
    %dma_wait3A = arith.constant 0 : i32
    %dma_wait3A_62 = arith.constant 0 : i32
    %dma_wait3A_63 = arith.constant 0 : i32
    %dma_wait3A_64 = arith.constant 0 : i32
    %dma_wait3A_65 = tpu.memref_slice %arg6[%dma_wait3A_62, %dma_wait3A_64] : memref<4x256xi32, #tpu.memory_space<vmem>> -> memref<1x256xi32, #tpu.memory_space<vmem>>
    %dma_wait3A_66 = tpu.memref_squeeze %dma_wait3A_65 : memref<1x256xi32, #tpu.memory_space<vmem>> -> memref<256xi32, #tpu.memory_space<vmem>>
    %dma_wait3A_67 = tpu.memref_slice %arg2[%dma_wait3A, %mul3A_2] : memref<4x8192xi32, #tpu.memory_space<hbm>> -> memref<1x256xi32, #tpu.memory_space<hbm>>
    %dma_wait3A_68 = tpu.memref_squeeze %dma_wait3A_67 : memref<1x256xi32, #tpu.memory_space<hbm>> -> memref<256xi32, #tpu.memory_space<hbm>>
    %dma_wait3A_69 = tpu.memref_slice %arg9[%dma_wait3A_63] : memref<5x!tpu.dma_semaphore, #tpu.memory_space<semaphore_mem>> -> memref<1x!tpu.dma_semaphore, #tpu.memory_space<semaphore_mem>>
    %dma_wait3A_70 = tpu.memref_squeeze %dma_wait3A_69 : memref<1x!tpu.dma_semaphore, #tpu.memory_space<semaphore_mem>> -> memref<!tpu.dma_semaphore, #tpu.memory_space<semaphore_mem>>
    %dma_wait3A_71 = arith.constant 0 : i32
    %dma_wait3A_72 = tpu.memref_slice %arg6[%dma_wait3A_62, %dma_wait3A_71] : memref<4x256xi32, #tpu.memory_space<vmem>> -> memref<1x256xi32, #tpu.memory_space<vmem>>
    %dma_wait3A_73 = tpu.memref_squeeze %dma_wait3A_72 : memref<1x256xi32, #tpu.memory_space<vmem>> -> memref<256xi32, #tpu.memory_space<vmem>>
    %dma_wait3A_74 = tpu.memref_slice %arg2[%dma_wait3A, %mul3A_2] : memref<4x8192xi32, #tpu.memory_space<hbm>> -> memref<1x256xi32, #tpu.memory_space<hbm>>
    %dma_wait3A_75 = tpu.memref_squeeze %dma_wait3A_74 : memref<1x256xi32, #tpu.memory_space<hbm>> -> memref<256xi32, #tpu.memory_space<hbm>>
    tpu.wait_dma2 semaphore(%dma_wait3A_70 : memref<!tpu.dma_semaphore, #tpu.memory_space<semaphore_mem>>) src(%dma_wait3A_75 : memref<256xi32, #tpu.memory_space<hbm>>) dst(%dma_wait3A_73 : memref<256xi32, #tpu.memory_space<vmem>>)
    %dma_wait3A_76 = arith.constant 1 : i32
    %dma_wait3A_77 = arith.constant 1 : i32
    %dma_wait3A_78 = arith.constant 1 : i32
    %dma_wait3A_79 = arith.constant 0 : i32
    %dma_wait3A_80 = tpu.memref_slice %arg6[%dma_wait3A_77, %dma_wait3A_79] : memref<4x256xi32, #tpu.memory_space<vmem>> -> memref<1x256xi32, #tpu.memory_space<vmem>>
    %dma_wait3A_81 = tpu.memref_squeeze %dma_wait3A_80 : memref<1x256xi32, #tpu.memory_space<vmem>> -> memref<256xi32, #tpu.memory_space<vmem>>
    %dma_wait3A_82 = tpu.memref_slice %arg2[%dma_wait3A_76, %mul3A_2] : memref<4x8192xi32, #tpu.memory_space<hbm>> -> memref<1x256xi32, #tpu.memory_space<hbm>>
    %dma_wait3A_83 = tpu.memref_squeeze %dma_wait3A_82 : memref<1x256xi32, #tpu.memory_space<hbm>> -> memref<256xi32, #tpu.memory_space<hbm>>
    %dma_wait3A_84 = tpu.memref_slice %arg9[%dma_wait3A_78] : memref<5x!tpu.dma_semaphore, #tpu.memory_space<semaphore_mem>> -> memref<1x!tpu.dma_semaphore, #tpu.memory_space<semaphore_mem>>
    %dma_wait3A_85 = tpu.memref_squeeze %dma_wait3A_84 : memref<1x!tpu.dma_semaphore, #tpu.memory_space<semaphore_mem>> -> memref<!tpu.dma_semaphore, #tpu.memory_space<semaphore_mem>>
    %dma_wait3A_86 = arith.constant 0 : i32
    %dma_wait3A_87 = tpu.memref_slice %arg6[%dma_wait3A_77, %dma_wait3A_86] : memref<4x256xi32, #tpu.memory_space<vmem>> -> memref<1x256xi32, #tpu.memory_space<vmem>>
    %dma_wait3A_88 = tpu.memref_squeeze %dma_wait3A_87 : memref<1x256xi32, #tpu.memory_space<vmem>> -> memref<256xi32, #tpu.memory_space<vmem>>
    %dma_wait3A_89 = tpu.memref_slice %arg2[%dma_wait3A_76, %mul3A_2] : memref<4x8192xi32, #tpu.memory_space<hbm>> -> memref<1x256xi32, #tpu.memory_space<hbm>>
    %dma_wait3A_90 = tpu.memref_squeeze %dma_wait3A_89 : memref<1x256xi32, #tpu.memory_space<hbm>> -> memref<256xi32, #tpu.memory_space<hbm>>
    tpu.wait_dma2 semaphore(%dma_wait3A_85 : memref<!tpu.dma_semaphore, #tpu.memory_space<semaphore_mem>>) src(%dma_wait3A_90 : memref<256xi32, #tpu.memory_space<hbm>>) dst(%dma_wait3A_88 : memref<256xi32, #tpu.memory_space<vmem>>)
    %dma_wait3A_91 = arith.constant 2 : i32
    %dma_wait3A_92 = arith.constant 2 : i32
    %dma_wait3A_93 = arith.constant 2 : i32
    %dma_wait3A_94 = arith.constant 0 : i32
    %dma_wait3A_95 = tpu.memref_slice %arg6[%dma_wait3A_92, %dma_wait3A_94] : memref<4x256xi32, #tpu.memory_space<vmem>> -> memref<1x256xi32, #tpu.memory_space<vmem>>
    %dma_wait3A_96 = tpu.memref_squeeze %dma_wait3A_95 : memref<1x256xi32, #tpu.memory_space<vmem>> -> memref<256xi32, #tpu.memory_space<vmem>>
    %dma_wait3A_97 = tpu.memref_slice %arg2[%dma_wait3A_91, %mul3A_2] : memref<4x8192xi32, #tpu.memory_space<hbm>> -> memref<1x256xi32, #tpu.memory_space<hbm>>
    %dma_wait3A_98 = tpu.memref_squeeze %dma_wait3A_97 : memref<1x256xi32, #tpu.memory_space<hbm>> -> memref<256xi32, #tpu.memory_space<hbm>>
    %dma_wait3A_99 = tpu.memref_slice %arg9[%dma_wait3A_93] : memref<5x!tpu.dma_semaphore, #tpu.memory_space<semaphore_mem>> -> memref<1x!tpu.dma_semaphore, #tpu.memory_space<semaphore_mem>>
    %dma_wait3A_100 = tpu.memref_squeeze %dma_wait3A_99 : memref<1x!tpu.dma_semaphore, #tpu.memory_space<semaphore_mem>> -> memref<!tpu.dma_semaphore, #tpu.memory_space<semaphore_mem>>
    %dma_wait3A_101 = arith.constant 0 : i32
    %dma_wait3A_102 = tpu.memref_slice %arg6[%dma_wait3A_92, %dma_wait3A_101] : memref<4x256xi32, #tpu.memory_space<vmem>> -> memref<1x256xi32, #tpu.memory_space<vmem>>
    %dma_wait3A_103 = tpu.memref_squeeze %dma_wait3A_102 : memref<1x256xi32, #tpu.memory_space<vmem>> -> memref<256xi32, #tpu.memory_space<vmem>>
    %dma_wait3A_104 = tpu.memref_slice %arg2[%dma_wait3A_91, %mul3A_2] : memref<4x8192xi32, #tpu.memory_space<hbm>> -> memref<1x256xi32, #tpu.memory_space<hbm>>
    %dma_wait3A_105 = tpu.memref_squeeze %dma_wait3A_104 : memref<1x256xi32, #tpu.memory_space<hbm>> -> memref<256xi32, #tpu.memory_space<hbm>>
    tpu.wait_dma2 semaphore(%dma_wait3A_100 : memref<!tpu.dma_semaphore, #tpu.memory_space<semaphore_mem>>) src(%dma_wait3A_105 : memref<256xi32, #tpu.memory_space<hbm>>) dst(%dma_wait3A_103 : memref<256xi32, #tpu.memory_space<vmem>>)
    %dma_wait3A_106 = arith.constant 3 : i32
    %dma_wait3A_107 = arith.constant 3 : i32
    %dma_wait3A_108 = arith.constant 3 : i32
    %dma_wait3A_109 = arith.constant 0 : i32
    %dma_wait3A_110 = tpu.memref_slice %arg6[%dma_wait3A_107, %dma_wait3A_109] : memref<4x256xi32, #tpu.memory_space<vmem>> -> memref<1x256xi32, #tpu.memory_space<vmem>>
    %dma_wait3A_111 = tpu.memref_squeeze %dma_wait3A_110 : memref<1x256xi32, #tpu.memory_space<vmem>> -> memref<256xi32, #tpu.memory_space<vmem>>
    %dma_wait3A_112 = tpu.memref_slice %arg2[%dma_wait3A_106, %mul3A_2] : memref<4x8192xi32, #tpu.memory_space<hbm>> -> memref<1x256xi32, #tpu.memory_space<hbm>>
    %dma_wait3A_113 = tpu.memref_squeeze %dma_wait3A_112 : memref<1x256xi32, #tpu.memory_space<hbm>> -> memref<256xi32, #tpu.memory_space<hbm>>
    %dma_wait3A_114 = tpu.memref_slice %arg9[%dma_wait3A_108] : memref<5x!tpu.dma_semaphore, #tpu.memory_space<semaphore_mem>> -> memref<1x!tpu.dma_semaphore, #tpu.memory_space<semaphore_mem>>
    %dma_wait3A_115 = tpu.memref_squeeze %dma_wait3A_114 : memref<1x!tpu.dma_semaphore, #tpu.memory_space<semaphore_mem>> -> memref<!tpu.dma_semaphore, #tpu.memory_space<semaphore_mem>>
    %dma_wait3A_116 = arith.constant 0 : i32
    %dma_wait3A_117 = tpu.memref_slice %arg6[%dma_wait3A_107, %dma_wait3A_116] : memref<4x256xi32, #tpu.memory_space<vmem>> -> memref<1x256xi32, #tpu.memory_space<vmem>>
    %dma_wait3A_118 = tpu.memref_squeeze %dma_wait3A_117 : memref<1x256xi32, #tpu.memory_space<vmem>> -> memref<256xi32, #tpu.memory_space<vmem>>
    %dma_wait3A_119 = tpu.memref_slice %arg2[%dma_wait3A_106, %mul3A_2] : memref<4x8192xi32, #tpu.memory_space<hbm>> -> memref<1x256xi32, #tpu.memory_space<hbm>>
    %dma_wait3A_120 = tpu.memref_squeeze %dma_wait3A_119 : memref<1x256xi32, #tpu.memory_space<hbm>> -> memref<256xi32, #tpu.memory_space<hbm>>
    tpu.wait_dma2 semaphore(%dma_wait3A_115 : memref<!tpu.dma_semaphore, #tpu.memory_space<semaphore_mem>>) src(%dma_wait3A_120 : memref<256xi32, #tpu.memory_space<hbm>>) dst(%dma_wait3A_118 : memref<256xi32, #tpu.memory_space<vmem>>)
    %div3A = arith.constant 0 : i32
    %div3A_121 = arith.constant 4 : i32
    %div3A_122 = arith.divsi %div3A, %div3A_121 : i32
    %rem3A = arith.constant 0 : i32
    %rem3A_123 = arith.constant 4 : i32
    %rem3A_124 = arith.remsi %rem3A, %rem3A_123 : i32
    %mul3A_125 = arith.constant 16 : i32
    %mul3A_126 = arith.muli %div3A_122, %mul3A_125 : i32
    %rem3A_127 = arith.constant 0 : i32
    %rem3A_128 = arith.constant 5 : i32
    %rem3A_129 = arith.remsi %rem3A_127, %rem3A_128 : i32
    %rem3A_130 = arith.constant 0 : i32
    %rem3A_131 = arith.constant 5 : i32
    %rem3A_132 = arith.remsi %rem3A_130, %rem3A_131 : i32
    %dma_start3A_133 = arith.constant 0 : i32
    %dma_start3A_134 = arith.constant 0 : i32
    %dma_start3A_135 = tpu.memref_slice %arg7[%rem3A_129, %dma_start3A_133, %dma_start3A_134] : memref<5x16x1024xf32, #tpu.memory_space<vmem>> -> memref<1x16x1024xf32, #tpu.memory_space<vmem>>
    %dma_start3A_136 = tpu.memref_squeeze %dma_start3A_135 : memref<1x16x1024xf32, #tpu.memory_space<vmem>> -> memref<16x1024xf32, #tpu.memory_space<vmem>>
    %dma_start3A_137 = tpu.memref_slice %arg6[%rem3A_124, %mul3A_126] : memref<4x256xi32, #tpu.memory_space<vmem>> -> memref<1x16xi32, #tpu.memory_space<vmem>>
    %dma_start3A_138 = tpu.memref_squeeze %dma_start3A_137 : memref<1x16xi32, #tpu.memory_space<vmem>> -> memref<16xi32, #tpu.memory_space<vmem>>
    %dma_start3A_139 = arith.constant 0 : i32
    %dma_start3A_140 = arith.constant 0 : i32
    %dma_start3A_141 = tpu.memref_slice %arg3[%dma_start3A_139, %dma_start3A_140] : memref<100000x1024xf32, #tpu.memory_space<hbm>> -> memref<100000x1024xf32, #tpu.memory_space<hbm>>
    %dma_start3A_142 = tpu.memref_slice %arg9[%rem3A_132] : memref<5x!tpu.dma_semaphore, #tpu.memory_space<semaphore_mem>> -> memref<1x!tpu.dma_semaphore, #tpu.memory_space<semaphore_mem>>
    %dma_start3A_143 = tpu.memref_squeeze %dma_start3A_142 : memref<1x!tpu.dma_semaphore, #tpu.memory_space<semaphore_mem>> -> memref<!tpu.dma_semaphore, #tpu.memory_space<semaphore_mem>>
    tpu.enqueue_indirect_dma source(%dma_start3A_141 : memref<100000x1024xf32, #tpu.memory_space<hbm>>) target(%dma_start3A_136 : memref<16x1024xf32, #tpu.memory_space<vmem>>) offsets(%dma_start3A_138 : memref<16xi32, #tpu.memory_space<vmem>>) semaphore(%dma_start3A_143 : memref<!tpu.dma_semaphore, #tpu.memory_space<semaphore_mem>>)
    %div3A_144 = arith.constant 1 : i32
    %div3A_145 = arith.constant 4 : i32
    %div3A_146 = arith.divsi %div3A_144, %div3A_145 : i32
    %rem3A_147 = arith.constant 1 : i32
    %rem3A_148 = arith.constant 4 : i32
    %rem3A_149 = arith.remsi %rem3A_147, %rem3A_148 : i32
    %mul3A_150 = arith.constant 16 : i32
    %mul3A_151 = arith.muli %div3A_146, %mul3A_150 : i32
    %rem3A_152 = arith.constant 1 : i32
    %rem3A_153 = arith.constant 5 : i32
    %rem3A_154 = arith.remsi %rem3A_152, %rem3A_153 : i32
    %rem3A_155 = arith.constant 1 : i32
    %rem3A_156 = arith.constant 5 : i32
    %rem3A_157 = arith.remsi %rem3A_155, %rem3A_156 : i32
    %dma_start3A_158 = arith.constant 0 : i32
    %dma_start3A_159 = arith.constant 0 : i32
    %dma_start3A_160 = tpu.memref_slice %arg7[%rem3A_154, %dma_start3A_158, %dma_start3A_159] : memref<5x16x1024xf32, #tpu.memory_space<vmem>> -> memref<1x16x1024xf32, #tpu.memory_space<vmem>>
    %dma_start3A_161 = tpu.memref_squeeze %dma_start3A_160 : memref<1x16x1024xf32, #tpu.memory_space<vmem>> -> memref<16x1024xf32, #tpu.memory_space<vmem>>
    %dma_start3A_162 = tpu.memref_slice %arg6[%rem3A_149, %mul3A_151] : memref<4x256xi32, #tpu.memory_space<vmem>> -> memref<1x16xi32, #tpu.memory_space<vmem>>
    %dma_start3A_163 = tpu.memref_squeeze %dma_start3A_162 : memref<1x16xi32, #tpu.memory_space<vmem>> -> memref<16xi32, #tpu.memory_space<vmem>>
    %dma_start3A_164 = arith.constant 0 : i32
    %dma_start3A_165 = arith.constant 0 : i32
    %dma_start3A_166 = tpu.memref_slice %arg3[%dma_start3A_164, %dma_start3A_165] : memref<100000x1024xf32, #tpu.memory_space<hbm>> -> memref<100000x1024xf32, #tpu.memory_space<hbm>>
    %dma_start3A_167 = tpu.memref_slice %arg9[%rem3A_157] : memref<5x!tpu.dma_semaphore, #tpu.memory_space<semaphore_mem>> -> memref<1x!tpu.dma_semaphore, #tpu.memory_space<semaphore_mem>>
    %dma_start3A_168 = tpu.memref_squeeze %dma_start3A_167 : memref<1x!tpu.dma_semaphore, #tpu.memory_space<semaphore_mem>> -> memref<!tpu.dma_semaphore, #tpu.memory_space<semaphore_mem>>
    tpu.enqueue_indirect_dma source(%dma_start3A_166 : memref<100000x1024xf32, #tpu.memory_space<hbm>>) target(%dma_start3A_161 : memref<16x1024xf32, #tpu.memory_space<vmem>>) offsets(%dma_start3A_163 : memref<16xi32, #tpu.memory_space<vmem>>) semaphore(%dma_start3A_168 : memref<!tpu.dma_semaphore, #tpu.memory_space<semaphore_mem>>)
    %div3A_169 = arith.constant 2 : i32
    %div3A_170 = arith.constant 4 : i32
    %div3A_171 = arith.divsi %div3A_169, %div3A_170 : i32
    %rem3A_172 = arith.constant 2 : i32
    %rem3A_173 = arith.constant 4 : i32
    %rem3A_174 = arith.remsi %rem3A_172, %rem3A_173 : i32
    %mul3A_175 = arith.constant 16 : i32
    %mul3A_176 = arith.muli %div3A_171, %mul3A_175 : i32
    %rem3A_177 = arith.constant 2 : i32
    %rem3A_178 = arith.constant 5 : i32
    %rem3A_179 = arith.remsi %rem3A_177, %rem3A_178 : i32
    %rem3A_180 = arith.constant 2 : i32
    %rem3A_181 = arith.constant 5 : i32
    %rem3A_182 = arith.remsi %rem3A_180, %rem3A_181 : i32
    %dma_start3A_183 = arith.constant 0 : i32
    %dma_start3A_184 = arith.constant 0 : i32
    %dma_start3A_185 = tpu.memref_slice %arg7[%rem3A_179, %dma_start3A_183, %dma_start3A_184] : memref<5x16x1024xf32, #tpu.memory_space<vmem>> -> memref<1x16x1024xf32, #tpu.memory_space<vmem>>
    %dma_start3A_186 = tpu.memref_squeeze %dma_start3A_185 : memref<1x16x1024xf32, #tpu.memory_space<vmem>> -> memref<16x1024xf32, #tpu.memory_space<vmem>>
    %dma_start3A_187 = tpu.memref_slice %arg6[%rem3A_174, %mul3A_176] : memref<4x256xi32, #tpu.memory_space<vmem>> -> memref<1x16xi32, #tpu.memory_space<vmem>>
    %dma_start3A_188 = tpu.memref_squeeze %dma_start3A_187 : memref<1x16xi32, #tpu.memory_space<vmem>> -> memref<16xi32, #tpu.memory_space<vmem>>
    %dma_start3A_189 = arith.constant 0 : i32
    %dma_start3A_190 = arith.constant 0 : i32
    %dma_start3A_191 = tpu.memref_slice %arg3[%dma_start3A_189, %dma_start3A_190] : memref<100000x1024xf32, #tpu.memory_space<hbm>> -> memref<100000x1024xf32, #tpu.memory_space<hbm>>
    %dma_start3A_192 = tpu.memref_slice %arg9[%rem3A_182] : memref<5x!tpu.dma_semaphore, #tpu.memory_space<semaphore_mem>> -> memref<1x!tpu.dma_semaphore, #tpu.memory_space<semaphore_mem>>
    %dma_start3A_193 = tpu.memref_squeeze %dma_start3A_192 : memref<1x!tpu.dma_semaphore, #tpu.memory_space<semaphore_mem>> -> memref<!tpu.dma_semaphore, #tpu.memory_space<semaphore_mem>>
    tpu.enqueue_indirect_dma source(%dma_start3A_191 : memref<100000x1024xf32, #tpu.memory_space<hbm>>) target(%dma_start3A_186 : memref<16x1024xf32, #tpu.memory_space<vmem>>) offsets(%dma_start3A_188 : memref<16xi32, #tpu.memory_space<vmem>>) semaphore(%dma_start3A_193 : memref<!tpu.dma_semaphore, #tpu.memory_space<semaphore_mem>>)
    %add3A_194 = arith.constant 0 : i32
    %add3A_195 = arith.addi %mul3A_2, %add3A_194 : i32
    %rem3A_196 = arith.constant 0 : i32
    %rem3A_197 = arith.constant 2 : i32
    %rem3A_198 = arith.remsi %rem3A_196, %rem3A_197 : i32
    %rem3A_199 = arith.constant 0 : i32
    %rem3A_200 = arith.constant 2 : i32
    %rem3A_201 = arith.remsi %rem3A_199, %rem3A_200 : i32
    %dma_start3A_202 = arith.constant 0 : i32
    %dma_start3A_203 = arith.constant 0 : i32
    %dma_start3A_204 = tpu.memref_slice %arg8[%rem3A_198, %dma_start3A_202, %dma_start3A_203] : memref<2x16x1024xf32, #tpu.memory_space<vmem>> -> memref<1x16x1024xf32, #tpu.memory_space<vmem>>
    %dma_start3A_205 = tpu.memref_squeeze %dma_start3A_204 : memref<1x16x1024xf32, #tpu.memory_space<vmem>> -> memref<16x1024xf32, #tpu.memory_space<vmem>>
    %dma_start3A_206 = arith.constant 0 : i32
    %dma_start3A_207 = tpu.memref_slice %arg4[%add3A_195, %dma_start3A_206] : memref<8192x1024xf32, #tpu.memory_space<hbm>> -> memref<16x1024xf32, #tpu.memory_space<hbm>>
    %dma_start3A_208 = tpu.memref_slice %arg10[%rem3A_201] : memref<2x!tpu.dma_semaphore, #tpu.memory_space<semaphore_mem>> -> memref<1x!tpu.dma_semaphore, #tpu.memory_space<semaphore_mem>>
    %dma_start3A_209 = tpu.memref_squeeze %dma_start3A_208 : memref<1x!tpu.dma_semaphore, #tpu.memory_space<semaphore_mem>> -> memref<!tpu.dma_semaphore, #tpu.memory_space<semaphore_mem>>
    %dma_start3A_210 = arith.constant 0 : i32
    %dma_start3A_211 = arith.constant 0 : i32
    %dma_start3A_212 = tpu.memref_slice %arg8[%rem3A_198, %dma_start3A_210, %dma_start3A_211] : memref<2x16x1024xf32, #tpu.memory_space<vmem>> -> memref<1x16x1024xf32, #tpu.memory_space<vmem>>
    %dma_start3A_213 = tpu.memref_squeeze %dma_start3A_212 : memref<1x16x1024xf32, #tpu.memory_space<vmem>> -> memref<16x1024xf32, #tpu.memory_space<vmem>>
    %dma_start3A_214 = arith.constant 0 : i32
    %dma_start3A_215 = tpu.memref_slice %arg4[%add3A_195, %dma_start3A_214] : memref<8192x1024xf32, #tpu.memory_space<hbm>> -> memref<16x1024xf32, #tpu.memory_space<hbm>>
    tpu.enqueue_dma source(%dma_start3A_215 : memref<16x1024xf32, #tpu.memory_space<hbm>>) target(%dma_start3A_213 : memref<16x1024xf32, #tpu.memory_space<vmem>>) target_semaphore(%dma_start3A_209 : memref<!tpu.dma_semaphore, #tpu.memory_space<semaphore_mem>>)
    %scan3A = arith.constant 0 : i32
    %scan3A_216 = arith.constant 0 : i32
    %scan3A_217 = arith.constant 64 : i32
    %scan3A_218 = arith.addi %scan3A_216, %scan3A_217 : i32
    %scan3A_219 = arith.constant 1 : i32
    scf.for %scan3A_381 = %scan3A_216 to %scan3A_218 step %scan3A_219  : i32 {
      %rem3A_382 = arith.constant 5 : i32
      %rem3A_383 = arith.remsi %scan3A_381, %rem3A_382 : i32
      %div3A_384 = arith.constant 4 : i32
      %div3A_385 = arith.divsi %scan3A_381, %div3A_384 : i32
      %rem3A_386 = arith.constant 4 : i32
      %rem3A_387 = arith.remsi %scan3A_381, %rem3A_386 : i32
      %rem3A_388 = arith.constant 2 : i32
      %rem3A_389 = arith.remsi %div3A_385, %rem3A_388 : i32
      %div3A_390 = arith.constant 4 : i32
      %div3A_391 = arith.divsi %scan3A_381, %div3A_390 : i32
      %rem3A_392 = arith.constant 4 : i32
      %rem3A_393 = arith.remsi %scan3A_381, %rem3A_392 : i32
      %mul3A_394 = arith.constant 16 : i32
      %mul3A_395 = arith.muli %div3A_391, %mul3A_394 : i32
      %rem3A_396 = arith.constant 5 : i32
      %rem3A_397 = arith.remsi %scan3A_381, %rem3A_396 : i32
      %rem3A_398 = arith.constant 5 : i32
      %rem3A_399 = arith.remsi %scan3A_381, %rem3A_398 : i32
      %dma_wait3A_400 = arith.constant 0 : i32
      %dma_wait3A_401 = arith.constant 0 : i32
      %dma_wait3A_402 = tpu.memref_slice %arg7[%rem3A_397, %dma_wait3A_400, %dma_wait3A_401] : memref<5x16x1024xf32, #tpu.memory_space<vmem>> -> memref<1x16x1024xf32, #tpu.memory_space<vmem>>
      %dma_wait3A_403 = tpu.memref_squeeze %dma_wait3A_402 : memref<1x16x1024xf32, #tpu.memory_space<vmem>> -> memref<16x1024xf32, #tpu.memory_space<vmem>>
      %dma_wait3A_404 = tpu.memref_slice %arg6[%rem3A_393, %mul3A_395] : memref<4x256xi32, #tpu.memory_space<vmem>> -> memref<1x16xi32, #tpu.memory_space<vmem>>
      %dma_wait3A_405 = tpu.memref_squeeze %dma_wait3A_404 : memref<1x16xi32, #tpu.memory_space<vmem>> -> memref<16xi32, #tpu.memory_space<vmem>>
      %dma_wait3A_406 = arith.constant 0 : i32
      %dma_wait3A_407 = arith.constant 0 : i32
      %dma_wait3A_408 = tpu.memref_slice %arg3[%dma_wait3A_406, %dma_wait3A_407] : memref<100000x1024xf32, #tpu.memory_space<hbm>> -> memref<100000x1024xf32, #tpu.memory_space<hbm>>
      %dma_wait3A_409 = tpu.memref_slice %arg9[%rem3A_399] : memref<5x!tpu.dma_semaphore, #tpu.memory_space<semaphore_mem>> -> memref<1x!tpu.dma_semaphore, #tpu.memory_space<semaphore_mem>>
      %dma_wait3A_410 = tpu.memref_squeeze %dma_wait3A_409 : memref<1x!tpu.dma_semaphore, #tpu.memory_space<semaphore_mem>> -> memref<!tpu.dma_semaphore, #tpu.memory_space<semaphore_mem>>
      tpu.wait_indirect_dma semaphore(%dma_wait3A_410 : memref<!tpu.dma_semaphore, #tpu.memory_space<semaphore_mem>>) src(%dma_wait3A_408 : memref<100000x1024xf32, #tpu.memory_space<hbm>>) dst(%dma_wait3A_403 : memref<16x1024xf32, #tpu.memory_space<vmem>>)
      %eq3A = arith.constant 0 : i32
      %eq3A_411 = arith.cmpi eq, %rem3A_387, %eq3A : i32
      %convert_element_type3A = arith.extui %eq3A_411 : i1 to i32
      %cond3A = arith.constant 0 : i32
      %cond3A_412 = arith.cmpi ne, %convert_element_type3A, %cond3A : i32
      scf.if %cond3A_412 {
        %mul3A_462 = arith.constant 16 : i32
        %mul3A_463 = arith.muli %div3A_385, %mul3A_462 : i32
        %add3A_464 = arith.addi %mul3A_2, %mul3A_463 : i32
        %rem3A_465 = arith.constant 2 : i32
        %rem3A_466 = arith.remsi %div3A_385, %rem3A_465 : i32
        %rem3A_467 = arith.constant 2 : i32
        %rem3A_468 = arith.remsi %div3A_385, %rem3A_467 : i32
        %dma_wait3A_469 = arith.constant 0 : i32
        %dma_wait3A_470 = arith.constant 0 : i32
        %dma_wait3A_471 = tpu.memref_slice %arg8[%rem3A_466, %dma_wait3A_469, %dma_wait3A_470] : memref<2x16x1024xf32, #tpu.memory_space<vmem>> -> memref<1x16x1024xf32, #tpu.memory_space<vmem>>
        %dma_wait3A_472 = tpu.memref_squeeze %dma_wait3A_471 : memref<1x16x1024xf32, #tpu.memory_space<vmem>> -> memref<16x1024xf32, #tpu.memory_space<vmem>>
        %dma_wait3A_473 = arith.constant 0 : i32
        %dma_wait3A_474 = tpu.memref_slice %arg4[%add3A_464, %dma_wait3A_473] : memref<8192x1024xf32, #tpu.memory_space<hbm>> -> memref<16x1024xf32, #tpu.memory_space<hbm>>
        %dma_wait3A_475 = tpu.memref_slice %arg10[%rem3A_468] : memref<2x!tpu.dma_semaphore, #tpu.memory_space<semaphore_mem>> -> memref<1x!tpu.dma_semaphore, #tpu.memory_space<semaphore_mem>>
        %dma_wait3A_476 = tpu.memref_squeeze %dma_wait3A_475 : memref<1x!tpu.dma_semaphore, #tpu.memory_space<semaphore_mem>> -> memref<!tpu.dma_semaphore, #tpu.memory_space<semaphore_mem>>
        %dma_wait3A_477 = arith.constant 0 : i32
        %dma_wait3A_478 = arith.constant 0 : i32
        %dma_wait3A_479 = tpu.memref_slice %arg8[%rem3A_466, %dma_wait3A_477, %dma_wait3A_478] : memref<2x16x1024xf32, #tpu.memory_space<vmem>> -> memref<1x16x1024xf32, #tpu.memory_space<vmem>>
        %dma_wait3A_480 = tpu.memref_squeeze %dma_wait3A_479 : memref<1x16x1024xf32, #tpu.memory_space<vmem>> -> memref<16x1024xf32, #tpu.memory_space<vmem>>
        %dma_wait3A_481 = arith.constant 0 : i32
        %dma_wait3A_482 = tpu.memref_slice %arg4[%add3A_464, %dma_wait3A_481] : memref<8192x1024xf32, #tpu.memory_space<hbm>> -> memref<16x1024xf32, #tpu.memory_space<hbm>>
        tpu.wait_dma2 semaphore(%dma_wait3A_476 : memref<!tpu.dma_semaphore, #tpu.memory_space<semaphore_mem>>) src(%dma_wait3A_482 : memref<16x1024xf32, #tpu.memory_space<hbm>>) dst(%dma_wait3A_480 : memref<16x1024xf32, #tpu.memory_space<vmem>>)
      } else {
      }
      %eq3A_413 = arith.constant 2 : i32
      %eq3A_414 = arith.cmpi eq, %rem3A_387, %eq3A_413 : i32
      %add3A_415 = arith.constant 1 : i32
      %add3A_416 = arith.addi %div3A_385, %add3A_415 : i32
      %lt3A = arith.constant 16 : i32
      %lt3A_417 = arith.cmpi slt, %add3A_416, %lt3A : i32
      %and3A = arith.andi %eq3A_414, %lt3A_417 : i1
      %convert_element_type3A_418 = arith.extui %and3A : i1 to i32
      %cond3A_419 = arith.constant 0 : i32
      %cond3A_420 = arith.cmpi ne, %convert_element_type3A_418, %cond3A_419 : i32
      scf.if %cond3A_420 {
        %add3A_462 = arith.constant 1 : i32
        %add3A_463 = arith.addi %div3A_385, %add3A_462 : i32
        %mul3A_464 = arith.constant 16 : i32
        %mul3A_465 = arith.muli %add3A_463, %mul3A_464 : i32
        %add3A_466 = arith.addi %mul3A_2, %mul3A_465 : i32
        %rem3A_467 = arith.constant 2 : i32
        %rem3A_468 = arith.remsi %add3A_463, %rem3A_467 : i32
        %rem3A_469 = arith.constant 2 : i32
        %rem3A_470 = arith.remsi %add3A_463, %rem3A_469 : i32
        %dma_start3A_471 = arith.constant 0 : i32
        %dma_start3A_472 = arith.constant 0 : i32
        %dma_start3A_473 = tpu.memref_slice %arg8[%rem3A_468, %dma_start3A_471, %dma_start3A_472] : memref<2x16x1024xf32, #tpu.memory_space<vmem>> -> memref<1x16x1024xf32, #tpu.memory_space<vmem>>
        %dma_start3A_474 = tpu.memref_squeeze %dma_start3A_473 : memref<1x16x1024xf32, #tpu.memory_space<vmem>> -> memref<16x1024xf32, #tpu.memory_space<vmem>>
        %dma_start3A_475 = arith.constant 0 : i32
        %dma_start3A_476 = tpu.memref_slice %arg4[%add3A_466, %dma_start3A_475] : memref<8192x1024xf32, #tpu.memory_space<hbm>> -> memref<16x1024xf32, #tpu.memory_space<hbm>>
        %dma_start3A_477 = tpu.memref_slice %arg10[%rem3A_470] : memref<2x!tpu.dma_semaphore, #tpu.memory_space<semaphore_mem>> -> memref<1x!tpu.dma_semaphore, #tpu.memory_space<semaphore_mem>>
        %dma_start3A_478 = tpu.memref_squeeze %dma_start3A_477 : memref<1x!tpu.dma_semaphore, #tpu.memory_space<semaphore_mem>> -> memref<!tpu.dma_semaphore, #tpu.memory_space<semaphore_mem>>
        %dma_start3A_479 = arith.constant 0 : i32
        %dma_start3A_480 = arith.constant 0 : i32
        %dma_start3A_481 = tpu.memref_slice %arg8[%rem3A_468, %dma_start3A_479, %dma_start3A_480] : memref<2x16x1024xf32, #tpu.memory_space<vmem>> -> memref<1x16x1024xf32, #tpu.memory_space<vmem>>
        %dma_start3A_482 = tpu.memref_squeeze %dma_start3A_481 : memref<1x16x1024xf32, #tpu.memory_space<vmem>> -> memref<16x1024xf32, #tpu.memory_space<vmem>>
        %dma_start3A_483 = arith.constant 0 : i32
        %dma_start3A_484 = tpu.memref_slice %arg4[%add3A_466, %dma_start3A_483] : memref<8192x1024xf32, #tpu.memory_space<hbm>> -> memref<16x1024xf32, #tpu.memory_space<hbm>>
        tpu.enqueue_dma source(%dma_start3A_484 : memref<16x1024xf32, #tpu.memory_space<hbm>>) target(%dma_start3A_482 : memref<16x1024xf32, #tpu.memory_space<vmem>>) target_semaphore(%dma_start3A_478 : memref<!tpu.dma_semaphore, #tpu.memory_space<semaphore_mem>>)
      } else {
      }
      %scan3A_421 = arith.constant 0 : i32
      %scan3A_422 = arith.constant 0 : i32
      %scan3A_423 = arith.constant 16 : i32
      %scan3A_424 = arith.addi %scan3A_422, %scan3A_423 : i32
      %scan3A_425 = arith.constant 1 : i32
      scf.for %scan3A_462 = %scan3A_422 to %scan3A_424 step %scan3A_425  : i32 {
        %parallel_loop3A = arith.constant 0 : i32
        %parallel_loop3A_463 = arith.constant 1024 : i32
        %parallel_loop3A_464 = arith.constant 16 : i32
        scf.for %parallel_loop3A_465 = %parallel_loop3A to %parallel_loop3A_463 step %parallel_loop3A_464  : i32 {
          %parallel_loop3A_466 = tpu.assume_multiple %parallel_loop3A_465, 16 : i32
          %parallel_loop3A_467 = arith.index_cast %rem3A_389 : i32 to index
          %parallel_loop3A_468 = arith.index_cast %scan3A_462 : i32 to index
          %parallel_loop3A_469 = arith.index_cast %parallel_loop3A_466 : i32 to index
          %parallel_loop3A_470 = tpu.vector_load %arg8[%parallel_loop3A_467, %parallel_loop3A_468, %parallel_loop3A_469] {strides = array<i32>} : memref<2x16x1024xf32, #tpu.memory_space<vmem>>, vector<1x1x16xf32>,
          %parallel_loop3A_471 = vector.shape_cast %parallel_loop3A_470 : vector<1x1x16xf32> to vector<16xf32>
          %parallel_loop3A_472 = arith.index_cast %rem3A_383 : i32 to index
          %parallel_loop3A_473 = arith.index_cast %scan3A_462 : i32 to index
          %parallel_loop3A_474 = arith.index_cast %parallel_loop3A_466 : i32 to index
          %parallel_loop3A_475 = tpu.vector_load %arg7[%parallel_loop3A_472, %parallel_loop3A_473, %parallel_loop3A_474] {strides = array<i32>} : memref<5x16x1024xf32, #tpu.memory_space<vmem>>, vector<1x1x16xf32>,
          %parallel_loop3A_476 = vector.shape_cast %parallel_loop3A_475 : vector<1x1x16xf32> to vector<16xf32>
          %parallel_loop3A_477 = vector.shape_cast %parallel_loop3A_471 : vector<16xf32> to vector<1x1x16xf32>
          tpu.vector_store %arg7[%parallel_loop3A_472, %parallel_loop3A_473, %parallel_loop3A_474], %parallel_loop3A_477 {add = true, strides = array<i32>} : memref<5x16x1024xf32, #tpu.memory_space<vmem>>, vector<1x1x16xf32>,
        } {sc.loop_unroll_factor = 8 : i64, sc.parallel_access}
      }
      %scan3A_426 = arith.constant 16 : i32
      %div3A_427 = arith.constant 4 : i32
      %div3A_428 = arith.divsi %scan3A_381, %div3A_427 : i32
      %rem3A_429 = arith.constant 4 : i32
      %rem3A_430 = arith.remsi %scan3A_381, %rem3A_429 : i32
      %rem3A_431 = arith.constant 5 : i32
      %rem3A_432 = arith.remsi %scan3A_381, %rem3A_431 : i32
      %mul3A_433 = arith.constant 8192 : i32
      %mul3A_434 = arith.muli %rem3A_430, %mul3A_433 : i32
      %add3A_435 = arith.addi %mul3A_434, %mul3A_2 : i32
      %mul3A_436 = arith.constant 16 : i32
      %mul3A_437 = arith.muli %div3A_428, %mul3A_436 : i32
      %add3A_438 = arith.addi %add3A_435, %mul3A_437 : i32
      %rem3A_439 = arith.constant 5 : i32
      %rem3A_440 = arith.remsi %scan3A_381, %rem3A_439 : i32
      %dma_start3A_441 = arith.constant 0 : i32
      %dma_start3A_442 = arith.constant 0 : i32
      %dma_start3A_443 = tpu.memref_slice %arg7[%rem3A_432, %dma_start3A_441, %dma_start3A_442] : memref<5x16x1024xf32, #tpu.memory_space<vmem>> -> memref<1x16x1024xf32, #tpu.memory_space<vmem>>
      %dma_start3A_444 = tpu.memref_squeeze %dma_start3A_443 : memref<1x16x1024xf32, #tpu.memory_space<vmem>> -> memref<16x1024xf32, #tpu.memory_space<vmem>>
      %dma_start3A_445 = arith.constant 0 : i32
      %dma_start3A_446 = tpu.memref_slice %arg5[%add3A_438, %dma_start3A_445] : memref<32768x1024xf32, #tpu.memory_space<hbm>> -> memref<16x1024xf32, #tpu.memory_space<hbm>>
      %dma_start3A_447 = tpu.memref_slice %arg11[%rem3A_440] : memref<5x!tpu.dma_semaphore, #tpu.memory_space<semaphore_mem>> -> memref<1x!tpu.dma_semaphore, #tpu.memory_space<semaphore_mem>>
      %dma_start3A_448 = tpu.memref_squeeze %dma_start3A_447 : memref<1x!tpu.dma_semaphore, #tpu.memory_space<semaphore_mem>> -> memref<!tpu.dma_semaphore, #tpu.memory_space<semaphore_mem>>
      %dma_start3A_449 = arith.constant 0 : i32
      %dma_start3A_450 = tpu.memref_slice %arg5[%add3A_438, %dma_start3A_449] : memref<32768x1024xf32, #tpu.memory_space<hbm>> -> memref<16x1024xf32, #tpu.memory_space<hbm>>
      %dma_start3A_451 = arith.constant 0 : i32
      %dma_start3A_452 = arith.constant 0 : i32
      %dma_start3A_453 = tpu.memref_slice %arg7[%rem3A_432, %dma_start3A_451, %dma_start3A_452] : memref<5x16x1024xf32, #tpu.memory_space<vmem>> -> memref<1x16x1024xf32, #tpu.memory_space<vmem>>
      %dma_start3A_454 = tpu.memref_squeeze %dma_start3A_453 : memref<1x16x1024xf32, #tpu.memory_space<vmem>> -> memref<16x1024xf32, #tpu.memory_space<vmem>>
      tpu.enqueue_dma source(%dma_start3A_454 : memref<16x1024xf32, #tpu.memory_space<vmem>>) target(%dma_start3A_450 : memref<16x1024xf32, #tpu.memory_space<hbm>>) target_semaphore(%dma_start3A_448 : memref<!tpu.dma_semaphore, #tpu.memory_space<semaphore_mem>>)
      %add3A_455 = arith.constant 3 : i32
      %add3A_456 = arith.addi %scan3A_381, %add3A_455 : i32
      %lt3A_457 = arith.constant 64 : i32
      %lt3A_458 = arith.cmpi slt, %add3A_456, %lt3A_457 : i32
      %convert_element_type3A_459 = arith.extui %lt3A_458 : i1 to i32
      %cond3A_460 = arith.constant 0 : i32
      %cond3A_461 = arith.cmpi ne, %convert_element_type3A_459, %cond3A_460 : i32
      scf.if %cond3A_461 {
        %add3A_462 = arith.constant 3 : i32
        %add3A_463 = arith.addi %scan3A_381, %add3A_462 : i32
        %ge3A = arith.constant 5 : i32
        %ge3A_464 = arith.cmpi sge, %add3A_463, %ge3A : i32
        %convert_element_type3A_465 = arith.extui %ge3A_464 : i1 to i32
        %cond3A_466 = arith.constant 0 : i32
        %cond3A_467 = arith.cmpi ne, %convert_element_type3A_465, %cond3A_466 : i32
        scf.if %cond3A_467 {
          %add3A_491 = arith.constant 3 : i32
          %add3A_492 = arith.addi %scan3A_381, %add3A_491 : i32
          %sub3A = arith.constant 5 : i32
          %sub3A_493 = arith.subi %add3A_492, %sub3A : i32
          %div3A_494 = arith.constant 4 : i32
          %div3A_495 = arith.divsi %sub3A_493, %div3A_494 : i32
          %rem3A_496 = arith.constant 4 : i32
          %rem3A_497 = arith.remsi %sub3A_493, %rem3A_496 : i32
          %rem3A_498 = arith.constant 5 : i32
          %rem3A_499 = arith.remsi %sub3A_493, %rem3A_498 : i32
          %mul3A_500 = arith.constant 8192 : i32
          %mul3A_501 = arith.muli %rem3A_497, %mul3A_500 : i32
          %add3A_502 = arith.addi %mul3A_501, %mul3A_2 : i32
          %mul3A_503 = arith.constant 16 : i32
          %mul3A_504 = arith.muli %div3A_495, %mul3A_503 : i32
          %add3A_505 = arith.addi %add3A_502, %mul3A_504 : i32
          %rem3A_506 = arith.constant 5 : i32
          %rem3A_507 = arith.remsi %sub3A_493, %rem3A_506 : i32
          %dma_wait3A_508 = arith.constant 0 : i32
          %dma_wait3A_509 = arith.constant 0 : i32
          %dma_wait3A_510 = tpu.memref_slice %arg7[%rem3A_499, %dma_wait3A_508, %dma_wait3A_509] : memref<5x16x1024xf32, #tpu.memory_space<vmem>> -> memref<1x16x1024xf32, #tpu.memory_space<vmem>>
          %dma_wait3A_511 = tpu.memref_squeeze %dma_wait3A_510 : memref<1x16x1024xf32, #tpu.memory_space<vmem>> -> memref<16x1024xf32, #tpu.memory_space<vmem>>
          %dma_wait3A_512 = arith.constant 0 : i32
          %dma_wait3A_513 = tpu.memref_slice %arg5[%add3A_505, %dma_wait3A_512] : memref<32768x1024xf32, #tpu.memory_space<hbm>> -> memref<16x1024xf32, #tpu.memory_space<hbm>>
          %dma_wait3A_514 = tpu.memref_slice %arg11[%rem3A_507] : memref<5x!tpu.dma_semaphore, #tpu.memory_space<semaphore_mem>> -> memref<1x!tpu.dma_semaphore, #tpu.memory_space<semaphore_mem>>
          %dma_wait3A_515 = tpu.memref_squeeze %dma_wait3A_514 : memref<1x!tpu.dma_semaphore, #tpu.memory_space<semaphore_mem>> -> memref<!tpu.dma_semaphore, #tpu.memory_space<semaphore_mem>>
          %dma_wait3A_516 = arith.constant 0 : i32
          %dma_wait3A_517 = tpu.memref_slice %arg5[%add3A_505, %dma_wait3A_516] : memref<32768x1024xf32, #tpu.memory_space<hbm>> -> memref<16x1024xf32, #tpu.memory_space<hbm>>
          %dma_wait3A_518 = arith.constant 0 : i32
          %dma_wait3A_519 = arith.constant 0 : i32
          %dma_wait3A_520 = tpu.memref_slice %arg7[%rem3A_499, %dma_wait3A_518, %dma_wait3A_519] : memref<5x16x1024xf32, #tpu.memory_space<vmem>> -> memref<1x16x1024xf32, #tpu.memory_space<vmem>>
          %dma_wait3A_521 = tpu.memref_squeeze %dma_wait3A_520 : memref<1x16x1024xf32, #tpu.memory_space<vmem>> -> memref<16x1024xf32, #tpu.memory_space<vmem>>
          tpu.wait_dma2 semaphore(%dma_wait3A_515 : memref<!tpu.dma_semaphore, #tpu.memory_space<semaphore_mem>>) src(%dma_wait3A_521 : memref<16x1024xf32, #tpu.memory_space<vmem>>) dst(%dma_wait3A_517 : memref<16x1024xf32, #tpu.memory_space<hbm>>)
        } else {
        }
        %add3A_468 = arith.constant 3 : i32
        %add3A_469 = arith.addi %scan3A_381, %add3A_468 : i32
        %div3A_470 = arith.constant 4 : i32
        %div3A_471 = arith.divsi %add3A_469, %div3A_470 : i32
        %rem3A_472 = arith.constant 4 : i32
        %rem3A_473 = arith.remsi %add3A_469, %rem3A_472 : i32
        %mul3A_474 = arith.constant 16 : i32
        %mul3A_475 = arith.muli %div3A_471, %mul3A_474 : i32
        %rem3A_476 = arith.constant 5 : i32
        %rem3A_477 = arith.remsi %add3A_469, %rem3A_476 : i32
        %rem3A_478 = arith.constant 5 : i32
        %rem3A_479 = arith.remsi %add3A_469, %rem3A_478 : i32
        %dma_start3A_480 = arith.constant 0 : i32
        %dma_start3A_481 = arith.constant 0 : i32
        %dma_start3A_482 = tpu.memref_slice %arg7[%rem3A_477, %dma_start3A_480, %dma_start3A_481] : memref<5x16x1024xf32, #tpu.memory_space<vmem>> -> memref<1x16x1024xf32, #tpu.memory_space<vmem>>
        %dma_start3A_483 = tpu.memref_squeeze %dma_start3A_482 : memref<1x16x1024xf32, #tpu.memory_space<vmem>> -> memref<16x1024xf32, #tpu.memory_space<vmem>>
        %dma_start3A_484 = tpu.memref_slice %arg6[%rem3A_473, %mul3A_475] : memref<4x256xi32, #tpu.memory_space<vmem>> -> memref<1x16xi32, #tpu.memory_space<vmem>>
        %dma_start3A_485 = tpu.memref_squeeze %dma_start3A_484 : memref<1x16xi32, #tpu.memory_space<vmem>> -> memref<16xi32, #tpu.memory_space<vmem>>
        %dma_start3A_486 = arith.constant 0 : i32
        %dma_start3A_487 = arith.constant 0 : i32
        %dma_start3A_488 = tpu.memref_slice %arg3[%dma_start3A_486, %dma_start3A_487] : memref<100000x1024xf32, #tpu.memory_space<hbm>> -> memref<100000x1024xf32, #tpu.memory_space<hbm>>
        %dma_start3A_489 = tpu.memref_slice %arg9[%rem3A_479] : memref<5x!tpu.dma_semaphore, #tpu.memory_space<semaphore_mem>> -> memref<1x!tpu.dma_semaphore, #tpu.memory_space<semaphore_mem>>
        %dma_start3A_490 = tpu.memref_squeeze %dma_start3A_489 : memref<1x!tpu.dma_semaphore, #tpu.memory_space<semaphore_mem>> -> memref<!tpu.dma_semaphore, #tpu.memory_space<semaphore_mem>>
        tpu.enqueue_indirect_dma source(%dma_start3A_488 : memref<100000x1024xf32, #tpu.memory_space<hbm>>) target(%dma_start3A_483 : memref<16x1024xf32, #tpu.memory_space<vmem>>) offsets(%dma_start3A_485 : memref<16xi32, #tpu.memory_space<vmem>>) semaphore(%dma_start3A_490 : memref<!tpu.dma_semaphore, #tpu.memory_space<semaphore_mem>>)
      } else {
      }
    }
    %scan3A_220 = arith.constant 64 : i32
    %div3A_221 = arith.constant 59 : i32
    %div3A_222 = arith.constant 4 : i32
    %div3A_223 = arith.divsi %div3A_221, %div3A_222 : i32
    %rem3A_224 = arith.constant 59 : i32
    %rem3A_225 = arith.constant 4 : i32
    %rem3A_226 = arith.remsi %rem3A_224, %rem3A_225 : i32
    %rem3A_227 = arith.constant 59 : i32
    %rem3A_228 = arith.constant 5 : i32
    %rem3A_229 = arith.remsi %rem3A_227, %rem3A_228 : i32
    %mul3A_230 = arith.constant 8192 : i32
    %mul3A_231 = arith.muli %rem3A_226, %mul3A_230 : i32
    %add3A_232 = arith.addi %mul3A_231, %mul3A_2 : i32
    %mul3A_233 = arith.constant 16 : i32
    %mul3A_234 = arith.muli %div3A_223, %mul3A_233 : i32
    %add3A_235 = arith.addi %add3A_232, %mul3A_234 : i32
    %rem3A_236 = arith.constant 59 : i32
    %rem3A_237 = arith.constant 5 : i32
    %rem3A_238 = arith.remsi %rem3A_236, %rem3A_237 : i32
    %dma_wait3A_239 = arith.constant 0 : i32
    %dma_wait3A_240 = arith.constant 0 : i32
    %dma_wait3A_241 = tpu.memref_slice %arg7[%rem3A_229, %dma_wait3A_239, %dma_wait3A_240] : memref<5x16x1024xf32, #tpu.memory_space<vmem>> -> memref<1x16x1024xf32, #tpu.memory_space<vmem>>
    %dma_wait3A_242 = tpu.memref_squeeze %dma_wait3A_241 : memref<1x16x1024xf32, #tpu.memory_space<vmem>> -> memref<16x1024xf32, #tpu.memory_space<vmem>>
    %dma_wait3A_243 = arith.constant 0 : i32
    %dma_wait3A_244 = tpu.memref_slice %arg5[%add3A_235, %dma_wait3A_243] : memref<32768x1024xf32, #tpu.memory_space<hbm>> -> memref<16x1024xf32, #tpu.memory_space<hbm>>
    %dma_wait3A_245 = tpu.memref_slice %arg11[%rem3A_238] : memref<5x!tpu.dma_semaphore, #tpu.memory_space<semaphore_mem>> -> memref<1x!tpu.dma_semaphore, #tpu.memory_space<semaphore_mem>>
    %dma_wait3A_246 = tpu.memref_squeeze %dma_wait3A_245 : memref<1x!tpu.dma_semaphore, #tpu.memory_space<semaphore_mem>> -> memref<!tpu.dma_semaphore, #tpu.memory_space<semaphore_mem>>
    %dma_wait3A_247 = arith.constant 0 : i32
    %dma_wait3A_248 = tpu.memref_slice %arg5[%add3A_235, %dma_wait3A_247] : memref<32768x1024xf32, #tpu.memory_space<hbm>> -> memref<16x1024xf32, #tpu.memory_space<hbm>>
    %dma_wait3A_249 = arith.constant 0 : i32
    %dma_wait3A_250 = arith.constant 0 : i32
    %dma_wait3A_251 = tpu.memref_slice %arg7[%rem3A_229, %dma_wait3A_249, %dma_wait3A_250] : memref<5x16x1024xf32, #tpu.memory_space<vmem>> -> memref<1x16x1024xf32, #tpu.memory_space<vmem>>
    %dma_wait3A_252 = tpu.memref_squeeze %dma_wait3A_251 : memref<1x16x1024xf32, #tpu.memory_space<vmem>> -> memref<16x1024xf32, #tpu.memory_space<vmem>>
    tpu.wait_dma2 semaphore(%dma_wait3A_246 : memref<!tpu.dma_semaphore, #tpu.memory_space<semaphore_mem>>) src(%dma_wait3A_252 : memref<16x1024xf32, #tpu.memory_space<vmem>>) dst(%dma_wait3A_248 : memref<16x1024xf32, #tpu.memory_space<hbm>>)
    %div3A_253 = arith.constant 60 : i32
    %div3A_254 = arith.constant 4 : i32
    %div3A_255 = arith.divsi %div3A_253, %div3A_254 : i32
    %rem3A_256 = arith.constant 60 : i32
    %rem3A_257 = arith.constant 4 : i32
    %rem3A_258 = arith.remsi %rem3A_256, %rem3A_257 : i32
    %rem3A_259 = arith.constant 60 : i32
    %rem3A_260 = arith.constant 5 : i32
    %rem3A_261 = arith.remsi %rem3A_259, %rem3A_260 : i32
    %mul3A_262 = arith.constant 8192 : i32
    %mul3A_263 = arith.muli %rem3A_258, %mul3A_262 : i32
    %add3A_264 = arith.addi %mul3A_263, %mul3A_2 : i32
    %mul3A_265 = arith.constant 16 : i32
    %mul3A_266 = arith.muli %div3A_255, %mul3A_265 : i32
    %add3A_267 = arith.addi %add3A_264, %mul3A_266 : i32
    %rem3A_268 = arith.constant 60 : i32
    %rem3A_269 = arith.constant 5 : i32
    %rem3A_270 = arith.remsi %rem3A_268, %rem3A_269 : i32
    %dma_wait3A_271 = arith.constant 0 : i32
    %dma_wait3A_272 = arith.constant 0 : i32
    %dma_wait3A_273 = tpu.memref_slice %arg7[%rem3A_261, %dma_wait3A_271, %dma_wait3A_272] : memref<5x16x1024xf32, #tpu.memory_space<vmem>> -> memref<1x16x1024xf32, #tpu.memory_space<vmem>>
    %dma_wait3A_274 = tpu.memref_squeeze %dma_wait3A_273 : memref<1x16x1024xf32, #tpu.memory_space<vmem>> -> memref<16x1024xf32, #tpu.memory_space<vmem>>
    %dma_wait3A_275 = arith.constant 0 : i32
    %dma_wait3A_276 = tpu.memref_slice %arg5[%add3A_267, %dma_wait3A_275] : memref<32768x1024xf32, #tpu.memory_space<hbm>> -> memref<16x1024xf32, #tpu.memory_space<hbm>>
    %dma_wait3A_277 = tpu.memref_slice %arg11[%rem3A_270] : memref<5x!tpu.dma_semaphore, #tpu.memory_space<semaphore_mem>> -> memref<1x!tpu.dma_semaphore, #tpu.memory_space<semaphore_mem>>
    %dma_wait3A_278 = tpu.memref_squeeze %dma_wait3A_277 : memref<1x!tpu.dma_semaphore, #tpu.memory_space<semaphore_mem>> -> memref<!tpu.dma_semaphore, #tpu.memory_space<semaphore_mem>>
    %dma_wait3A_279 = arith.constant 0 : i32
    %dma_wait3A_280 = tpu.memref_slice %arg5[%add3A_267, %dma_wait3A_279] : memref<32768x1024xf32, #tpu.memory_space<hbm>> -> memref<16x1024xf32, #tpu.memory_space<hbm>>
    %dma_wait3A_281 = arith.constant 0 : i32
    %dma_wait3A_282 = arith.constant 0 : i32
    %dma_wait3A_283 = tpu.memref_slice %arg7[%rem3A_261, %dma_wait3A_281, %dma_wait3A_282] : memref<5x16x1024xf32, #tpu.memory_space<vmem>> -> memref<1x16x1024xf32, #tpu.memory_space<vmem>>
    %dma_wait3A_284 = tpu.memref_squeeze %dma_wait3A_283 : memref<1x16x1024xf32, #tpu.memory_space<vmem>> -> memref<16x1024xf32, #tpu.memory_space<vmem>>
    tpu.wait_dma2 semaphore(%dma_wait3A_278 : memref<!tpu.dma_semaphore, #tpu.memory_space<semaphore_mem>>) src(%dma_wait3A_284 : memref<16x1024xf32, #tpu.memory_space<vmem>>) dst(%dma_wait3A_280 : memref<16x1024xf32, #tpu.memory_space<hbm>>)
    %div3A_285 = arith.constant 61 : i32
    %div3A_286 = arith.constant 4 : i32
    %div3A_287 = arith.divsi %div3A_285, %div3A_286 : i32
    %rem3A_288 = arith.constant 61 : i32
    %rem3A_289 = arith.constant 4 : i32
    %rem3A_290 = arith.remsi %rem3A_288, %rem3A_289 : i32
    %rem3A_291 = arith.constant 61 : i32
    %rem3A_292 = arith.constant 5 : i32
    %rem3A_293 = arith.remsi %rem3A_291, %rem3A_292 : i32
    %mul3A_294 = arith.constant 8192 : i32
    %mul3A_295 = arith.muli %rem3A_290, %mul3A_294 : i32
    %add3A_296 = arith.addi %mul3A_295, %mul3A_2 : i32
    %mul3A_297 = arith.constant 16 : i32
    %mul3A_298 = arith.muli %div3A_287, %mul3A_297 : i32
    %add3A_299 = arith.addi %add3A_296, %mul3A_298 : i32
    %rem3A_300 = arith.constant 61 : i32
    %rem3A_301 = arith.constant 5 : i32
    %rem3A_302 = arith.remsi %rem3A_300, %rem3A_301 : i32
    %dma_wait3A_303 = arith.constant 0 : i32
    %dma_wait3A_304 = arith.constant 0 : i32
    %dma_wait3A_305 = tpu.memref_slice %arg7[%rem3A_293, %dma_wait3A_303, %dma_wait3A_304] : memref<5x16x1024xf32, #tpu.memory_space<vmem>> -> memref<1x16x1024xf32, #tpu.memory_space<vmem>>
    %dma_wait3A_306 = tpu.memref_squeeze %dma_wait3A_305 : memref<1x16x1024xf32, #tpu.memory_space<vmem>> -> memref<16x1024xf32, #tpu.memory_space<vmem>>
    %dma_wait3A_307 = arith.constant 0 : i32
    %dma_wait3A_308 = tpu.memref_slice %arg5[%add3A_299, %dma_wait3A_307] : memref<32768x1024xf32, #tpu.memory_space<hbm>> -> memref<16x1024xf32, #tpu.memory_space<hbm>>
    %dma_wait3A_309 = tpu.memref_slice %arg11[%rem3A_302] : memref<5x!tpu.dma_semaphore, #tpu.memory_space<semaphore_mem>> -> memref<1x!tpu.dma_semaphore, #tpu.memory_space<semaphore_mem>>
    %dma_wait3A_310 = tpu.memref_squeeze %dma_wait3A_309 : memref<1x!tpu.dma_semaphore, #tpu.memory_space<semaphore_mem>> -> memref<!tpu.dma_semaphore, #tpu.memory_space<semaphore_mem>>
    %dma_wait3A_311 = arith.constant 0 : i32
    %dma_wait3A_312 = tpu.memref_slice %arg5[%add3A_299, %dma_wait3A_311] : memref<32768x1024xf32, #tpu.memory_space<hbm>> -> memref<16x1024xf32, #tpu.memory_space<hbm>>
    %dma_wait3A_313 = arith.constant 0 : i32
    %dma_wait3A_314 = arith.constant 0 : i32
    %dma_wait3A_315 = tpu.memref_slice %arg7[%rem3A_293, %dma_wait3A_313, %dma_wait3A_314] : memref<5x16x1024xf32, #tpu.memory_space<vmem>> -> memref<1x16x1024xf32, #tpu.memory_space<vmem>>
    %dma_wait3A_316 = tpu.memref_squeeze %dma_wait3A_315 : memref<1x16x1024xf32, #tpu.memory_space<vmem>> -> memref<16x1024xf32, #tpu.memory_space<vmem>>
    tpu.wait_dma2 semaphore(%dma_wait3A_310 : memref<!tpu.dma_semaphore, #tpu.memory_space<semaphore_mem>>) src(%dma_wait3A_316 : memref<16x1024xf32, #tpu.memory_space<vmem>>) dst(%dma_wait3A_312 : memref<16x1024xf32, #tpu.memory_space<hbm>>)
    %div3A_317 = arith.constant 62 : i32
    %div3A_318 = arith.constant 4 : i32
    %div3A_319 = arith.divsi %div3A_317, %div3A_318 : i32
    %rem3A_320 = arith.constant 62 : i32
    %rem3A_321 = arith.constant 4 : i32
    %rem3A_322 = arith.remsi %rem3A_320, %rem3A_321 : i32
    %rem3A_323 = arith.constant 62 : i32
    %rem3A_324 = arith.constant 5 : i32
    %rem3A_325 = arith.remsi %rem3A_323, %rem3A_324 : i32
    %mul3A_326 = arith.constant 8192 : i32
    %mul3A_327 = arith.muli %rem3A_322, %mul3A_326 : i32
    %add3A_328 = arith.addi %mul3A_327, %mul3A_2 : i32
    %mul3A_329 = arith.constant 16 : i32
    %mul3A_330 = arith.muli %div3A_319, %mul3A_329 : i32
    %add3A_331 = arith.addi %add3A_328, %mul3A_330 : i32
    %rem3A_332 = arith.constant 62 : i32
    %rem3A_333 = arith.constant 5 : i32
    %rem3A_334 = arith.remsi %rem3A_332, %rem3A_333 : i32
    %dma_wait3A_335 = arith.constant 0 : i32
    %dma_wait3A_336 = arith.constant 0 : i32
    %dma_wait3A_337 = tpu.memref_slice %arg7[%rem3A_325, %dma_wait3A_335, %dma_wait3A_336] : memref<5x16x1024xf32, #tpu.memory_space<vmem>> -> memref<1x16x1024xf32, #tpu.memory_space<vmem>>
    %dma_wait3A_338 = tpu.memref_squeeze %dma_wait3A_337 : memref<1x16x1024xf32, #tpu.memory_space<vmem>> -> memref<16x1024xf32, #tpu.memory_space<vmem>>
    %dma_wait3A_339 = arith.constant 0 : i32
    %dma_wait3A_340 = tpu.memref_slice %arg5[%add3A_331, %dma_wait3A_339] : memref<32768x1024xf32, #tpu.memory_space<hbm>> -> memref<16x1024xf32, #tpu.memory_space<hbm>>
    %dma_wait3A_341 = tpu.memref_slice %arg11[%rem3A_334] : memref<5x!tpu.dma_semaphore, #tpu.memory_space<semaphore_mem>> -> memref<1x!tpu.dma_semaphore, #tpu.memory_space<semaphore_mem>>
    %dma_wait3A_342 = tpu.memref_squeeze %dma_wait3A_341 : memref<1x!tpu.dma_semaphore, #tpu.memory_space<semaphore_mem>> -> memref<!tpu.dma_semaphore, #tpu.memory_space<semaphore_mem>>
    %dma_wait3A_343 = arith.constant 0 : i32
    %dma_wait3A_344 = tpu.memref_slice %arg5[%add3A_331, %dma_wait3A_343] : memref<32768x1024xf32, #tpu.memory_space<hbm>> -> memref<16x1024xf32, #tpu.memory_space<hbm>>
    %dma_wait3A_345 = arith.constant 0 : i32
    %dma_wait3A_346 = arith.constant 0 : i32
    %dma_wait3A_347 = tpu.memref_slice %arg7[%rem3A_325, %dma_wait3A_345, %dma_wait3A_346] : memref<5x16x1024xf32, #tpu.memory_space<vmem>> -> memref<1x16x1024xf32, #tpu.memory_space<vmem>>
    %dma_wait3A_348 = tpu.memref_squeeze %dma_wait3A_347 : memref<1x16x1024xf32, #tpu.memory_space<vmem>> -> memref<16x1024xf32, #tpu.memory_space<vmem>>
    tpu.wait_dma2 semaphore(%dma_wait3A_342 : memref<!tpu.dma_semaphore, #tpu.memory_space<semaphore_mem>>) src(%dma_wait3A_348 : memref<16x1024xf32, #tpu.memory_space<vmem>>) dst(%dma_wait3A_344 : memref<16x1024xf32, #tpu.memory_space<hbm>>)
    %div3A_349 = arith.constant 63 : i32
    %div3A_350 = arith.constant 4 : i32
    %div3A_351 = arith.divsi %div3A_349, %div3A_350 : i32
    %rem3A_352 = arith.constant 63 : i32
    %rem3A_353 = arith.constant 4 : i32
    %rem3A_354 = arith.remsi %rem3A_352, %rem3A_353 : i32
    %rem3A_355 = arith.constant 63 : i32
    %rem3A_356 = arith.constant 5 : i32
    %rem3A_357 = arith.remsi %rem3A_355, %rem3A_356 : i32
    %mul3A_358 = arith.constant 8192 : i32
    %mul3A_359 = arith.muli %rem3A_354, %mul3A_358 : i32
    %add3A_360 = arith.addi %mul3A_359, %mul3A_2 : i32
    %mul3A_361 = arith.constant 16 : i32
    %mul3A_362 = arith.muli %div3A_351, %mul3A_361 : i32
    %add3A_363 = arith.addi %add3A_360, %mul3A_362 : i32
    %rem3A_364 = arith.constant 63 : i32
    %rem3A_365 = arith.constant 5 : i32
    %rem3A_366 = arith.remsi %rem3A_364, %rem3A_365 : i32
    %dma_wait3A_367 = arith.constant 0 : i32
    %dma_wait3A_368 = arith.constant 0 : i32
    %dma_wait3A_369 = tpu.memref_slice %arg7[%rem3A_357, %dma_wait3A_367, %dma_wait3A_368] : memref<5x16x1024xf32, #tpu.memory_space<vmem>> -> memref<1x16x1024xf32, #tpu.memory_space<vmem>>
    %dma_wait3A_370 = tpu.memref_squeeze %dma_wait3A_369 : memref<1x16x1024xf32, #tpu.memory_space<vmem>> -> memref<16x1024xf32, #tpu.memory_space<vmem>>
    %dma_wait3A_371 = arith.constant 0 : i32
    %dma_wait3A_372 = tpu.memref_slice %arg5[%add3A_363, %dma_wait3A_371] : memref<32768x1024xf32, #tpu.memory_space<hbm>> -> memref<16x1024xf32, #tpu.memory_space<hbm>>
    %dma_wait3A_373 = tpu.memref_slice %arg11[%rem3A_366] : memref<5x!tpu.dma_semaphore, #tpu.memory_space<semaphore_mem>> -> memref<1x!tpu.dma_semaphore, #tpu.memory_space<semaphore_mem>>
    %dma_wait3A_374 = tpu.memref_squeeze %dma_wait3A_373 : memref<1x!tpu.dma_semaphore, #tpu.memory_space<semaphore_mem>> -> memref<!tpu.dma_semaphore, #tpu.memory_space<semaphore_mem>>
    %dma_wait3A_375 = arith.constant 0 : i32
    %dma_wait3A_376 = tpu.memref_slice %arg5[%add3A_363, %dma_wait3A_375] : memref<32768x1024xf32, #tpu.memory_space<hbm>> -> memref<16x1024xf32, #tpu.memory_space<hbm>>
    %dma_wait3A_377 = arith.constant 0 : i32
    %dma_wait3A_378 = arith.constant 0 : i32
    %dma_wait3A_379 = tpu.memref_slice %arg7[%rem3A_357, %dma_wait3A_377, %dma_wait3A_378] : memref<5x16x1024xf32, #tpu.memory_space<vmem>> -> memref<1x16x1024xf32, #tpu.memory_space<vmem>>
    %dma_wait3A_380 = tpu.memref_squeeze %dma_wait3A_379 : memref<1x16x1024xf32, #tpu.memory_space<vmem>> -> memref<16x1024xf32, #tpu.memory_space<vmem>>
    tpu.wait_dma2 semaphore(%dma_wait3A_374 : memref<!tpu.dma_semaphore, #tpu.memory_space<semaphore_mem>>) src(%dma_wait3A_380 : memref<16x1024xf32, #tpu.memory_space<vmem>>) dst(%dma_wait3A_376 : memref<16x1024xf32, #tpu.memory_space<hbm>>)
    return
  }
}

</mosaic_0001>

<sc_bundles>
// kernel: _embed.3.cloned.1.call-start
scs
__scs_entry_jumppad:
0x0: {  	(pc) =	sbr.rel $0x88, $3  }
0x1: {  	(tag) =	ssettag $0x0;
	lr =	simm.s32 $0x1  }
0x2: {  	[smem:$0x3F9E] =	sst lr;
	_ =	strace $0xD0000000  }
0x3: {  	_ = 	snop  }
0x4: {  	_ = 	snop  }
0x5: {  	_ = 	snop  }
0x6: {  	_ = 	snop  }
0x7: {  	_ = 	snop  }
__scs_overlays_trampoline_lowered:
0x8: {  	[smem:$0x3FAD] =	sst s0  }
0x9: {  	[smem:$0x3FAE] =	sst s1  }
0xa: {  	[smem:$0x3FAF] =	sst s2  }
0xb: {  	[smem:$0x3FB0] =	sst s3  }
0xc: {  	[smem:$0x3FB1] =	sst s4  }
0xd: {  	[smem:$0x3FB2] =	sst s5  }
0xe: {  	[smem:$0x3FB3] =	sst s6  }
0xf: {  	[smem:$0x3FB4] =	sst s7  }
0x10: {  	[smem:$0x3FB5] =	sst s8  }
0x11: {  	[smem:$0x3FB6] =	sst s9;
	s0 =	simm.s32 @!p0 $0x0  }
0x12: {  	s1 =	sld [smem:$0x3F9C];
	s0 =	simm.s32 @p0 $0x1  }
0x13: {  	[smem:$0x3FB7] =	sst s0;
	s0 =	simm.s32 @!p1 $0x0  }
0x14: {  	s2 =	sld [smem:$0x3F9B];
	s0 =	simm.s32 @p1 $0x1  }
0x15: {  	[smem:$0x3FB8] =	sst s0;
	s0 =	simm.s32 @!p2 $0x0  }
0x16: {  	s3 =	sld [smem:$0x3FDB];
	s0 =	simm.s32 @p2 $0x1  }
0x17: {  	s4 =	simm.s32 $0x1BF5;
	[smem:$0x3FBA] =	sst s0  }
0x18: {  	s0 =	sld [smem:$0x3F9D];
	_ =	swait.ge [sflag:s4], $0x0  }
0x19: {  	s7 =	sld [smem:$0x3F9E]  }
0x1a: {  	s8 =	sadd.s32 $0xFFFFE003, lr  }
0x1b: {  	s9 =	sadd.s32 $0xFFFFFEF7, lr;
	s5 =	simm.s32 $0xFFFFFFFF;
	p2 =	slt.u32 s8, $0xFFFFF086  }
0x1c: {  	p1 =	slt.u32 s9, $0xF7A;
	s5 =	simm.s32 @!p2 $0x0  }
0x1d: {  	s5 =	simm.s32 @p1 $0x1;
	p0 =	seq.s32 s7, s2  }
0x1e: {  	s7 =	smul.u32 @!p0 $0xF7A, s2;
	p2 =	seq.s32 @!p0 s5, $0x0  }
0x1f: {  	s9 =	smul.u32 $0xF7A, s1;
	s8 =	simm.s32 @!p0 $0x1BF5;
	p2 =	por !p2, p0  }
0x20: {  	[sflag:s8] =	ssyncset.s32 @!p0 $0xFFFFF086;
	s6 =	sadd.s32 @!p0 s3, s7;
	s7 =	simm.s32 @!p0 $0x108  }
0x21: {  	s3 =	sadd.s32 s3, s9;
	s6 =	sadd.s32 @!p0 $0x88, s6;
	s7 =	simm.s32 @p2 $0x1082  }
0x22: {  	[simem:s7], [sflag:s8] =	dma.local @!p0 [hbm:s6], $0xF7A  }
0x23: {  	s9 =	sor.u32 $0xD0000000, s2;
	s6 =	simm.s32 $0x108;
	_ =	swait.ge @!p0 [sflag:s8], $0x0  }
0x24: {  	s3 =	sadd.s32 $0x88, s3;
	s6 =	simm.s32 @!p1 $0x1082;
	[sflag:s4] =	ssyncset.s32 $0xFFFFF086  }
0x25: {  	[simem:s6], [sflag:s4] =	dma.local [hbm:s3], $0xF7A  }
0x26: {  	[smem:$0x3F9E] =	sst s1;
	(tag) =	ssettag s2;
	_ =	strace s9  }
0x27: {  	s1 =	sld [smem:$0x3FAE]  }
0x28: {  	s2 =	sld [smem:$0x3FAF]  }
0x29: {  	s4 =	sld [smem:$0x3FB1]  }
0x2a: {  	p0 =	seq.s32 s5, $0x0;
	s5 =	sld [smem:$0x3FB2]  }
0x2b: {  	s6 =	sld [smem:$0x3FB3]  }
0x2c: {  	s7 =	sld [smem:$0x3FB4]  }
0x2d: {  	s3 =	simm.s32 $0x108;
	s8 =	sld [smem:$0x3FB5]  }
0x2e: {  	s3 =	simm.s32 @!p0 $0x1082;
	s9 =	sld [smem:$0x3FB6]  }
0x2f: {  	lr =	sadd.s32 s0, s3;
	s0 =	sld [smem:$0x3FAD]  }
0x30: {  	s3 =	sld [smem:$0x3FB0]  }
0x31: {  	[smem:$0x3FB9] =	sst s10  }
0x32: {  	s10 =	sld [smem:$0x3FB7];
	_ =	sdelay $0x3  }
0x33: {  	p0 =	seq.s32 s10, $0x1;
	s10 =	sld [smem:$0x3FB9];
	_ =	sdelay $0x3  }
0x34: {  	[smem:$0x3FB9] =	sst s10  }
0x35: {  	s10 =	sld [smem:$0x3FB8];
	_ =	sdelay $0x3  }
0x36: {  	p1 =	seq.s32 s10, $0x1;
	s10 =	sld [smem:$0x3FB9];
	_ =	sdelay $0x3  }
0x37: {  	[smem:$0x3FB9] =	sst s10  }
0x38: {  	s10 =	sld [smem:$0x3FBA]  }
0x39: {  	_ = 	snop;
	(pc) =	sbr.ind lr, $3  }
0x3a: {  	_ = 	snop  }
0x3b: {  	_ = 	snop  }
0x3c: {  	p2 =	seq.s32 s10, $0x1;
	s10 =	sld [smem:$0x3FB9]  }
0x3d: {  	_ =	shalt  }
0x3e: {  	_ =	shalt  }
0x3f: {  	_ =	shalt  }
0x40: {  	_ =	shalt  }
0x41: {  	_ =	shalt  }
0x42: {  	_ =	shalt  }
0x43: {  	_ =	shalt  }
0x44: {  	_ =	shalt  }
0x45: {  	_ =	shalt  }
0x46: {  	_ =	shalt  }
0x47: {  	_ =	shalt  }
0x48: {  	_ =	shalt  }
0x49: {  	_ =	shalt  }
0x4a: {  	_ =	shalt  }
0x4b: {  	_ =	shalt  }
0x4c: {  	_ =	shalt  }
0x4d: {  	_ =	shalt  }
0x4e: {  	_ =	shalt  }
0x4f: {  	_ =	shalt  }
0x50: {  	_ =	shalt  }
0x51: {  	_ =	shalt  }
0x52: {  	_ =	shalt  }
0x53: {  	_ =	shalt  }
0x54: {  	_ =	shalt  }
0x55: {  	_ =	shalt  }
0x56: {  	_ =	shalt  }
0x57: {  	_ =	shalt  }
0x58: {  	_ =	shalt  }
0x59: {  	_ =	shalt  }
0x5a: {  	_ =	shalt  }
0x5b: {  	_ =	shalt  }
0x5c: {  	_ =	shalt  }
0x5d: {  	_ =	shalt  }
0x5e: {  	_ =	shalt  }
0x5f: {  	_ =	shalt  }
0x60: {  	_ =	shalt  }
0x61: {  	_ =	shalt  }
0x62: {  	_ =	shalt  }
0x63: {  	_ =	shalt  }
0x64: {  	_ =	shalt  }
0x65: {  	_ =	shalt  }
0x66: {  	_ =	shalt  }
0x67: {  	_ =	shalt  }
0x68: {  	_ =	shalt  }
0x69: {  	_ =	shalt  }
0x6a: {  	_ =	shalt  }
0x6b: {  	_ =	shalt  }
0x6c: {  	_ =	shalt  }
0x6d: {  	_ =	shalt  }
0x6e: {  	_ =	shalt  }
0x6f: {  	_ =	shalt  }
0x70: {  	_ =	shalt  }
0x71: {  	_ =	shalt  }
0x72: {  	_ =	shalt  }
0x73: {  	_ =	shalt  }
0x74: {  	_ =	shalt  }
0x75: {  	_ =	shalt  }
0x76: {  	_ =	shalt  }
0x77: {  	_ =	shalt  }
0x78: {  	_ =	shalt  }
0x79: {  	_ =	shalt  }
0x7a: {  	_ =	shalt  }
0x7b: {  	_ =	shalt  }
0x7c: {  	_ =	shalt  }
0x7d: {  	_ =	shalt  }
0x7e: {  	_ =	shalt  }
0x7f: {  	_ =	shalt  }
0x80: {  	_ =	shalt  }
0x81: {  	_ =	shalt  }
0x82: {  	_ =	shalt  }
0x83: {  	_ =	shalt  }
0x84: {  	_ =	shalt  }
0x85: {  	_ =	shalt  }
0x86: {  	_ =	shalt  }
0x87: {  	_ =	shalt  }
.Lfunc_end0:
.L_simem_size_0:
called_computation_lowered:
.L_overlay_start_0:
0x88: {  	s2 =	sld [smem:$0x3FD9]  }
0x89: {  	s3 =	sld [smem:$0x3FFE];
	_ =	sdelay $0x1  }
0x8a: {  	s1 =	srdreg.scid  }
0x8b: {  	s0 =	sand.u32 $0x1, s1  }
0x8c: {  	s18 =	sshll.u32 s0, $0xA;
	s2 =	sadd.s32 s3, s2  }
0x8d: {  	s2 =	sadd.s32 s2, s18  }
0x8e: {  	[smem:$0x3FC5] =	sst s2  }
0x8f: {  	_ = 	snop  }
0x90: {  	s2 =	sld [smem:$0x3FC9]  }
0x91: {  	s19 =	sld [smem:$0x3FC8]  }
0x92: {  	s4 =	sld [smem:$0x3FC7]  }
0x93: {  	s5 =	sld [smem:$0x3FD0];
	(tm) =	ssettm $0x1  }
0x94: {  	s6 =	sld [smem:$0x3FFB];
	_ =	sdelay $0x3  }
0x95: {  	_ =	strace s6  }
0x96: {  	s6 =	sld [smem:$0x3FFC];
	_ =	sdelay $0x3  }
0x97: {  	_ =	strace s6  }
0x98: {  	s6 =	sld [smem:$0x3FFD];
	_ =	sdelay $0x3  }
0x99: {  	_ =	strace s6  }
0x9a: {  	_ =	strace $0x8FFFFFFF  }
0x9b: {  	s20 =	sld [smem:$0x3FDB];
	_ =	sdelay $0x1  }
0x9c: {  	s7 =	simm.s32 $_scs_section_size  }
0x9d: {  	s8 =	simm.s32 $_size__tile_overlayer_lowered;
	s9 =	simm.s32 $_tile_overlayer_lowered  }
0x9e: {  	s23 =	simm.s32 $0x1BFF;
	s22 =	sshll.u32 s9, $0x1;
	s6 =	sadd.s32 s7, s20  }
0x9f: {  	s10 =	simm.s32 $0x0;
	s21 =	sshll.u32 s8, $0x1;
	s8 =	sadd.s32 s22, s6  }
0xa0: {  	[timem:s10], [sflag:s23] =	dma.local [hbm:s8], s21  }
0xa1: {  	_ =	swait.ge [sflag:s23], s21  }
0xa2: {  	s7 =	ssub.s32 $0x0, s21;
	[sflag:s23] =	ssyncset.done $0x0  }
0xa3: {  	[sflag:s23] =	ssyncadd.s32 s7;
	_ =	sdelay $0x1  }
0xa4: {  	s24 =	simm.s32 $0x1B8B  }
0xa5: {  	_ =	swait.ge [sflag:s24], $0x1  }
0xa6: {  	[sflag:s24] =	ssyncset.done $0x0  }
0xa7: {  	s25 =	simm.s32 $0x1B8E;
	[sflag:s24] =	ssyncadd.s32 $0xFFFFFFFF  }
0xa8: {  	s26 =	simm.s32 $execute0_lowered;
	[smem:$0x3FD2] =	sst s25  }
0xa9: {  	s7 =	sshll.u32 s26, $0x1;
	_ =	strace $0x80000046;
	[dreg:$0x1] =	wrdreg $0xFFFFFFFF  }
0xaa: {  	s28 =	simm.s32 $_size_execute0_lowered;
	s6 =	sadd.s32 s6, s7;
	[dreg:$0x0] =	wrdreg $0x0  }
0xab: {  	s7 =	sshll.u32 s28, $0x1;
	[dreg:$0x2] =	wrdreg s6  }
0xac: {  	[dreg:$0x3] =	wrdreg s7  }
0xad: {  	[dreg:$0x4] =	wrdreg $0xC0  }
0xae: {  	_ =	task [dreg:s10], $0x5FFFF  }
0xaf: {  	[dreg:$0x1] =	wrdreg $0xFFFFFFFF  }
0xb0: {  	[dreg:$0x0] =	wrdreg $0x60  }
0xb1: {  	[dreg:$0x2] =	wrdreg s2  }
0xb2: {  	[dreg:$0x3] =	wrdreg s19  }
0xb3: {  	[dreg:$0x4] =	wrdreg s4  }
0xb4: {  	[dreg:$0x5] =	wrdreg s5  }
0xb5: {  	[dreg:$0x6] =	wrdreg $0x9  }
0xb6: {  	_ =	task.clear_ibuf [dreg:s10], $0x7FFFF;
	_ =	strace $0x90000046  }
0xb7: {  	s29 =	simm.s32 $0x9;
	_ =	strace $0x80000048  }
0xb8: {  	_ =	swait.ge [sflag:s29], $0x1  }
0xb9: {  	[sflag:s29] =	ssyncadd.s32 $0xFFFFFFFF  }
0xba: {  	_ =	strace $0x90000048  }
0xbb: {  	_ =	sfence  }
0xbc: {  	s30 =	sld [smem:$0x0];
	_ =	sdelay $0x2  }
0xbd: {  	s31 =	sshll.u32 s1, $0xD;
	s1 =	sshrl.u32 s1, $0x2  }
0xbe: {  	s3 =	sand.u32 $0x4000, s31;
	s1 =	sadd.s32 s1, s30  }
0xbf: {  	s0 =	sor.u32 s3, s0;
	s1 =	sshll.u32 s1, $0x11  }
0xc0: {  	s0 =	sor.u32 s1, s0  }
0xc1: {  	s0 =	sadd.s32 $0x8F2B, s0  }
0xc2: {  	[sflag:s0] =	ssyncadd.remote.s32 $0x1  }
0xc3: {  	_ =	sfence.sel $0xFFFF  }
0xc4: {  	[dreg:$0x0] =	wrdreg $0xFFFFFFFF;
	(pc) =	sbr.abs _section_cstart, $3  }
0xc5: {  	[dreg:$0x1] =	wrdreg $0xFFFFFFFF  }
0xc6: {  	_ =	task.clear_ibuf [dreg:s10], $0x2FFFF;
	_ =	strace $0x9FFFFFFF  }
0xc7: {  	(tm) =	ssettm $0x7FFFFFFF  }
tec
execute0_lowered:
.L_overlay_start_1:
0x0: {  	(tag) =	ssettag $0x1  }
0x1: {  	s0 =	rddreg [dreg:$0x0]  }
0x2: {  	s7 =	rddreg [dreg:$0x1]  }
0x3: {  	s1 =	srdreg.scid;
	s2 =	rddreg [dreg:$0x2]  }
0x4: {  	s4 =	stileid.u32;
	s3 =	rddreg [dreg:$0x3]  }
0x5: {  	s6 =	simm.s32 $0x0;
	s1 =	sand.u32 $0x1, s1;
	s4 =	sshll.u32 s4, $0x9  }
0x6: {  	[smem:$0x7FF] =	sst s6;
	s23 =	sadd.s32 $0x100, s7;
	s24 =	sadd.s32 $0x200, s7  }
0x7: {  	s5 =	sshll.u32 s1, $0x8;
	_ =	strace $0x80000047;
	[dreg:$0x9] =	wrdreg s23  }
0x8: {  	s25 =	sadd.s32 $0x300, s7;
	[dreg:$0xa] =	wrdreg s24;
	s4 =	sor.u32 s5, s4  }
0x9: {  	s1 =	ssub.s32 $0x2, s1;
	[dreg:$0xb] =	wrdreg s25;
	s26 =	sshll.u32 s4, $0x7  }
0xa: {  	s18 =	sshrl.u32 s1, $0x1;
	s5 =	sshrl.u32 s4, $0x1;
	s2 =	sadd.s32 s2, s26  }
0xb: {  	s19 =	ssub.s32 s1, s18;
	s1 =	sadd.s32 s3, s26;
	[dreg:$0xc] =	wrdreg s2  }
0xc: {  	s5 =	sadd.s32 s0, s5;
	s0 =	smax.u32 s19, $0x1;
	[dreg:$0xd] =	wrdreg s1  }
0xd: {  	[dreg:$0xe] =	wrdreg s0  }
0xe: {  	s20 =	sadd.s32 $0x10, s5;
	[dreg:$0x5] =	wrdreg s5  }
0xf: {  	s21 =	sadd.s32 $0x20, s5;
	[dreg:$0x6] =	wrdreg s20  }
0x10: {  	s22 =	sadd.s32 $0x30, s5;
	[dreg:$0x7] =	wrdreg s21  }
0x11: {  	s28 =	sadd.s32 $0x40, s5;
	[dreg:$0x8] =	wrdreg s22  }
0x12: {  	s29 =	sadd.s32 $0x50, s5;
	[dreg:$0xf] =	wrdreg s28  }
0x13: {  	v2 =	vlaneseq.u32;
	s30 =	sadd.s32 $0x60, s5;
	[dreg:$0x10] =	wrdreg s29  }
0x14: {  	vm0 =	vmmov $0xffff;
	v1 =	vshrl.u32 v2, $0x3;
	s31 =	sadd.s32 $0x70, s5;
	[dreg:$0x11] =	wrdreg s30  }
0x15: {  	v0 =	vand.u32 $0x7, v2;
	v2 =	vor.u32 $0x8, v2;
	v1 =	vmul.u32 $0x8, v1;
	s2 =	simm.s32 $0x0;
	[dreg:$0x12] =	wrdreg s31  }
.LBB2_1:
0x16: {  	[dreg:$0x13] =	wrdreg s2  }
0x17: {  	s1 =	simm.s32 $0x0;
	s0 =	rddreg [dreg:$0x5]  }
0x18: {  	[tilespmem:s1], [sflag:$0x1] =	stream.linear.gather [hbm4b:s0+s1], $0x80, $0x38;
	[tilespmem:$0x1C400] =	vst v63  }
0x19: {  	s8 =	rddreg [dreg:$0xf];
	s9 =	simm.s32 $0x200  }
0x1a: {  	[tilespmem:s9], [sflag:$0x1] =	stream.linear.gather [hbm4b:s8+s1], $0x80, $0x38;
	[tilespmem:$0x1C400] =	vst v63  }
0x1b: {  	s10 =	rddreg [dreg:$0x6];
	s11 =	simm.s32 $0x80  }
0x1c: {  	[tilespmem:s11], [sflag:$0x2] =	stream.linear.gather [hbm4b:s10+s1], $0x80, $0x38;
	[tilespmem:$0x1C400] =	vst v63  }
0x1d: {  	s12 =	rddreg [dreg:$0x10];
	s13 =	simm.s32 $0x280  }
0x1e: {  	[tilespmem:s13], [sflag:$0x2] =	stream.linear.gather [hbm4b:s12+s1], $0x80, $0x38;
	[tilespmem:$0x1C400] =	vst v63  }
0x1f: {  	s14 =	rddreg [dreg:$0x7];
	s15 =	simm.s32 $0x100  }
0x20: {  	[tilespmem:s15], [sflag:$0x3] =	stream.linear.gather [hbm4b:s14+s1], $0x80, $0x38;
	[tilespmem:$0x1C400] =	vst v63  }
0x21: {  	s16 =	rddreg [dreg:$0x11];
	s17 =	simm.s32 $0x300  }
0x22: {  	[tilespmem:s17], [sflag:$0x3] =	stream.linear.gather [hbm4b:s16+s1], $0x80, $0x38;
	[tilespmem:$0x1C400] =	vst v63  }
0x23: {  	s18 =	rddreg [dreg:$0x8];
	s19 =	simm.s32 $0x180  }
0x24: {  	[tilespmem:s19], [sflag:$0x4] =	stream.linear.gather [hbm4b:s18+s1], $0x80, $0x38;
	[tilespmem:$0x1C400] =	vst v63  }
0x25: {  	s20 =	rddreg [dreg:$0x12];
	s21 =	simm.s32 $0x380;
	s22 =	simm.s32 $0x1  }
0x26: {  	[tilespmem:s21], [sflag:$0x4] =	stream.linear.gather [hbm4b:s20+s1], $0x80, $0x38;
	[tilespmem:$0x1C400] =	vst v63  }
0x27: {  	_ =	swait.ge [sflag:s22], $0x100  }
0x28: {  	[sflag:s22] =	ssyncset.done $0x0  }
0x29: {  	s23 =	simm.s32 $0x2;
	[sflag:s22] =	ssyncadd.s32 $0xFFFFFF00  }
0x2a: {  	_ =	swait.ge [sflag:s23], $0x100  }
0x2b: {  	[sflag:s23] =	ssyncset.done $0x0  }
0x2c: {  	s24 =	simm.s32 $0x3;
	[sflag:s23] =	ssyncadd.s32 $0xFFFFFF00  }
0x2d: {  	_ =	swait.ge [sflag:s24], $0x100  }
0x2e: {  	[sflag:s24] =	ssyncset.done $0x0  }
0x2f: {  	s25 =	simm.s32 $0x4;
	[sflag:s24] =	ssyncadd.s32 $0xFFFFFF00  }
0x30: {  	_ =	swait.ge [sflag:s25], $0x100  }
0x31: {  	[sflag:s25] =	ssyncset.done $0x0  }
0x32: {  	[sflag:s25] =	ssyncadd.s32 $0xFFFFFF00  }
0x33: {  	v3 =	vld [tilespmem:$0x0];
	_ =	sdelay $0x4  }
0x34: {  	v4 =	vshll.u32 v3, $0x3  }
0x35: {  	v3 =	vand.u32 $0x7, v3;
	v4 =	vand.u32 $0xFFFFFFC0, v4  }
0x36: {  	v3 =	vor.u32 v3, v4  }
0x37: {  	v4 =	vperm.xlane v3, v0;
	_ =	sdelay $0x1  }
0x38: {  	v4 =	vadd.s32 v1, v4;
	_ =	sdelay $0x3  }
0x39: {  	s9 =	simm.s32 $0x400;
	s0 =	rddreg [dreg:$0x1]  }
0x3a: {  	[tilespmem:s9], [sflag:$0x1] =	stream.indirect_vreg.gather [hbm4b:s0+s1], $0x80, v4, vm0, $0xb8;
	[tilespmem:$0x1C400] =	vst v63  }
0x3b: {  	s3 =	simm.s32 $0xC00;
	s26 =	rddreg [dreg:$0x9];
	v3 =	vperm.xlane v3, v2  }
0x3c: {  	[tilespmem:s3], [sflag:$0x1] =	stream.indirect_vreg.gather [hbm4b:s26+s1], $0x80, v4, vm0, $0xb8;
	[tilespmem:$0x1C400] =	vst v63  }
0x3d: {  	s4 =	simm.s32 $0x1400;
	s28 =	rddreg [dreg:$0xa];
	v3 =	vadd.s32 v1, v3  }
0x3e: {  	[tilespmem:s4], [sflag:$0x1] =	stream.indirect_vreg.gather [hbm4b:s28+s1], $0x80, v4, vm0, $0xb8;
	[tilespmem:$0x1C400] =	vst v63  }
0x3f: {  	s5 =	simm.s32 $0x1C00;
	s29 =	rddreg [dreg:$0xb]  }
0x40: {  	[tilespmem:s5], [sflag:$0x1] =	stream.indirect_vreg.gather [hbm4b:s29+s1], $0x80, v4, vm0, $0xb8;
	[tilespmem:$0x1C400] =	vst v63  }
0x41: {  	s6 =	simm.s32 $0x2400  }
0x42: {  	[tilespmem:s6], [sflag:$0x1] =	stream.indirect_vreg.gather [hbm4b:s0+s1], $0x80, v3, vm0, $0xb8;
	[tilespmem:$0x1C400] =	vst v63  }
0x43: {  	s7 =	simm.s32 $0x2C00  }
0x44: {  	[tilespmem:s7], [sflag:$0x1] =	stream.indirect_vreg.gather [hbm4b:s26+s1], $0x80, v3, vm0, $0xb8;
	[tilespmem:$0x1C400] =	vst v63  }
0x45: {  	s8 =	simm.s32 $0x3400  }
0x46: {  	[tilespmem:s8], [sflag:$0x1] =	stream.indirect_vreg.gather [hbm4b:s28+s1], $0x80, v3, vm0, $0xb8;
	[tilespmem:$0x1C400] =	vst v63  }
0x47: {  	s10 =	simm.s32 $0x3C00  }
0x48: {  	[tilespmem:s10], [sflag:$0x1] =	stream.indirect_vreg.gather [hbm4b:s29+s1], $0x80, v3, vm0, $0xb8;
	[tilespmem:$0x1C400] =	vst v63  }
0x49: {  	v3 =	vld [tilespmem:$0x80];
	_ =	sdelay $0x4  }
0x4a: {  	v62 =	vshll.u32 v3, $0x3  }
0x4b: {  	v3 =	vand.u32 $0x7, v3;
	v4 =	vand.u32 $0xFFFFFFC0, v62  }
0x4c: {  	v3 =	vor.u32 v3, v4  }
0x4d: {  	v4 =	vperm.xlane v3, v0;
	_ =	sdelay $0x1  }
0x4e: {  	v4 =	vadd.s32 v1, v4;
	_ =	sdelay $0x3  }
0x4f: {  	s11 =	simm.s32 $0x4400  }
0x50: {  	[tilespmem:s11], [sflag:$0x2] =	stream.indirect_vreg.gather [hbm4b:s0+s1], $0x80, v4, vm0, $0xb8;
	[tilespmem:$0x1C400] =	vst v63  }
0x51: {  	s12 =	simm.s32 $0x4C00;
	v3 =	vperm.xlane v3, v2  }
0x52: {  	[tilespmem:s12], [sflag:$0x2] =	stream.indirect_vreg.gather [hbm4b:s26+s1], $0x80, v4, vm0, $0xb8;
	[tilespmem:$0x1C400] =	vst v63  }
0x53: {  	s13 =	simm.s32 $0x5400;
	v3 =	vadd.s32 v1, v3  }
0x54: {  	[tilespmem:s13], [sflag:$0x2] =	stream.indirect_vreg.gather [hbm4b:s28+s1], $0x80, v4, vm0, $0xb8;
	[tilespmem:$0x1C400] =	vst v63  }
0x55: {  	s14 =	simm.s32 $0x5C00  }
0x56: {  	[tilespmem:s14], [sflag:$0x2] =	stream.indirect_vreg.gather [hbm4b:s29+s1], $0x80, v4, vm0, $0xb8;
	[tilespmem:$0x1C400] =	vst v63  }
0x57: {  	s15 =	simm.s32 $0x6400  }
0x58: {  	[tilespmem:s15], [sflag:$0x2] =	stream.indirect_vreg.gather [hbm4b:s0+s1], $0x80, v3, vm0, $0xb8;
	[tilespmem:$0x1C400] =	vst v63  }
0x59: {  	s16 =	simm.s32 $0x6C00  }
0x5a: {  	[tilespmem:s16], [sflag:$0x2] =	stream.indirect_vreg.gather [hbm4b:s26+s1], $0x80, v3, vm0, $0xb8;
	[tilespmem:$0x1C400] =	vst v63  }
0x5b: {  	s17 =	simm.s32 $0x7400  }
0x5c: {  	[tilespmem:s17], [sflag:$0x2] =	stream.indirect_vreg.gather [hbm4b:s28+s1], $0x80, v3, vm0, $0xb8;
	[tilespmem:$0x1C400] =	vst v63  }
0x5d: {  	s18 =	simm.s32 $0x7C00  }
0x5e: {  	[tilespmem:s18], [sflag:$0x2] =	stream.indirect_vreg.gather [hbm4b:s29+s1], $0x80, v3, vm0, $0xb8;
	[tilespmem:$0x1C400] =	vst v63  }
0x5f: {  	v3 =	vld [tilespmem:$0x100];
	_ =	sdelay $0x4  }
0x60: {  	v63 =	vshll.u32 v3, $0x3  }
0x61: {  	v3 =	vand.u32 $0x7, v3;
	v4 =	vand.u32 $0xFFFFFFC0, v63  }
0x62: {  	v3 =	vor.u32 v3, v4  }
0x63: {  	v4 =	vperm.xlane v3, v0;
	_ =	sdelay $0x1  }
0x64: {  	v4 =	vadd.s32 v1, v4;
	_ =	sdelay $0x3  }
0x65: {  	s19 =	simm.s32 $0x8400  }
0x66: {  	[tilespmem:s19], [sflag:$0x3] =	stream.indirect_vreg.gather [hbm4b:s0+s1], $0x80, v4, vm0, $0xb8;
	[tilespmem:$0x1C400] =	vst v63  }
0x67: {  	s20 =	simm.s32 $0x8C00;
	v3 =	vperm.xlane v3, v2  }
0x68: {  	[tilespmem:s20], [sflag:$0x3] =	stream.indirect_vreg.gather [hbm4b:s26+s1], $0x80, v4, vm0, $0xb8;
	[tilespmem:$0x1C400] =	vst v63  }
0x69: {  	s21 =	simm.s32 $0x9400;
	v3 =	vadd.s32 v1, v3  }
0x6a: {  	[tilespmem:s21], [sflag:$0x3] =	stream.indirect_vreg.gather [hbm4b:s28+s1], $0x80, v4, vm0, $0xb8;
	[tilespmem:$0x1C400] =	vst v63  }
0x6b: {  	s22 =	simm.s32 $0x9C00  }
0x6c: {  	[tilespmem:s22], [sflag:$0x3] =	stream.indirect_vreg.gather [hbm4b:s29+s1], $0x80, v4, vm0, $0xb8;
	[tilespmem:$0x1C400] =	vst v63  }
0x6d: {  	s30 =	simm.s32 $0x430;
	s23 =	simm.s32 $0xA400  }
0x6e: {  	[tilespmem:s23], [sflag:$0x3] =	stream.indirect_vreg.gather [hbm4b:s0+s1], $0x80, v3, vm0, $0xb8;
	[tilespmem:$0x1C400] =	vst v63  }
0x6f: {  	s31 =	simm.s32 $0x440;
	s24 =	simm.s32 $0xAC00;
	s25 =	simm.s32 $0xB400  }
0x70: {  	[tilespmem:s24], [sflag:$0x3] =	stream.indirect_vreg.gather [hbm4b:s26+s1], $0x80, v3, vm0, $0xb8;
	[tilespmem:$0x1C400] =	vst v63  }
0x71: {  	s5 =	simm.s32 $0x450;
	s6 =	simm.s32 $0x460;
	s7 =	simm.s32 $0x470  }
0x72: {  	[tilespmem:s25], [sflag:$0x3] =	stream.indirect_vreg.gather [hbm4b:s28+s1], $0x80, v3, vm0, $0xb8;
	[tilespmem:$0x1C400] =	vst v63  }
0x73: {  	s10 =	simm.s32 $0x410;
	s11 =	simm.s32 $0x420;
	s26 =	simm.s32 $0xBC00  }
0x74: {  	[tilespmem:s26], [sflag:$0x3] =	stream.indirect_vreg.gather [hbm4b:s29+s1], $0x80, v3, vm0, $0xb8;
	[tilespmem:$0x1C400] =	vst v63  }
0x75: {  	s13 =	simm.s32 $0x0;
	s28 =	rddreg [dreg:$0xc];
	s29 =	simm.s32 $0x14400  }
0x76: {  	[tilespmem:s29], [sflag:$0x6] =	stream.linear.gather [hbm4b:s28+s1], $0x4000, $0x38;
	[tilespmem:$0x1C400] =	vst v63  }
.LBB2_2:
0x77: {  	s0 =	smul.u32 $0xCD, s13;
	s1 =	sand.u32 $0x3, s13  }
0x78: {  	p0 =	sne.s32 s1, $0x0  }
0x79: {  	s18 =	smulhi.u32 $0xCCCCCCCD, s13;
	s0 =	sshrl.u32 s0, $0xA;
	p1 =	sgt.u32 @p0 s13, $0x3B  }
0x7a: {  	[dreg:$0x17] =	wrdreg s1;
	s0 =	sand.u32 $0x3F, s0;
	p2 =	por p1, !p0  }
0x7b: {  	s0 =	smul.u32 $0x5, s0;
	p2 =	sne.s32 @!p2 s1, $0x2;
	s1 =	sshrl.u32 s18, $0x2  }
0x7c: {  	p1 =	por @p0 p2, p1;
	s19 =	smul.u32 $0xFFFB0000, s1  }
0x7d: {  	s4 =	sshrl.u32 s13, $0x2;
	s0 =	ssub.s32 s13, s0;
	p1 =	por p1, !p0  }
0x7e: {  	s12 =	sand.u32 $0xFF, s0;
	s2 =	sadd.s32 @!p1 $0x1, s4;
	s22 =	sshra.s32 s19, $0x2  }
0x7f: {  	s0 =	sadd.s32 $0x1, s12;
	s3 =	sand.u32 @!p1 $0x1, s2;
	s21 =	sshll.u32 s12, $0xE  }
0x80: {  	s25 =	sadd.s32 s22, s10;
	s26 =	sadd.s32 s22, s11;
	s28 =	sadd.s32 s22, s30  }
0x81: {  	s29 =	sadd.s32 s22, s31;
	s18 =	sadd.s32 s22, s7;
	_ =	swait.ge [sflag:s0], $0x4000  }
0x82: {  	[dreg:$0x19] =	wrdreg s4;
	s4 =	sand.u32 $0x1, s4;
	s8 =	sshll.u32 @!p1 s3, $0xE  }
0x83: {  	s3 =	sor.u32 @!p1 $0x6, s3;
	s23 =	sor.u32 $0x400, s21;
	[sflag:s0] =	ssyncset.done $0x0  }
0x84: {  	s21 =	simm.s32 $0x0;
	s1 =	sor.u32 @!p0 $0x6, s4;
	[sflag:s0] =	ssyncadd.s32 $0xFFFFC000  }
0x85: {  	s0 =	sshll.u32 @!p1 s2, $0xB;
	s2 =	sadd.s32 @!p1 $0x14400, s8;
	s8 =	rddreg [dreg:$0xc]  }
0x86: {  	s20 =	sshll.u32 s4, $0x10;
	s0 =	sadd.s32 @!p1 s0, s8;
	s8 =	simm.s32 @!p1 $0x0  }
0x87: {  	[tilespmem:s2], [sflag:s3] =	stream.linear.gather @!p1 [hbm4b:s0+s8], $0x4000, $0x38;
	[tilespmem:$0x1C400] =	vst v63  }
0x88: {  	s4 =	sadd.s32 s22, s9;
	_ =	swait.ge @!p0 [sflag:s1], $0x4000;
	[dreg:$0x18] =	wrdreg s12  }
0x89: {  	s24 =	sshrl.u32 s20, $0x2;
	s20 =	simm.s32 $0x0;
	[dreg:$0x1a] =	wrdreg s23  }
0x8a: {  	s19 =	sadd.s32 $0x14440, s24;
	s2 =	sadd.s32 s22, s5;
	[dreg:$0x14] =	wrdreg s9  }
0x8b: {  	s0 =	sadd.s32 s22, s6;
	[dreg:$0x15] =	wrdreg s10;
	[sflag:s1] =	ssyncset.done @!p0 $0x0  }
0x8c: {  	s3 =	simm.s32 $0x0;
	[dreg:$0x16] =	wrdreg s11;
	[sflag:s1] =	ssyncadd.s32 @!p0 $0xFFFFC000  }
.LBB2_3:
0x8d: {  	s1 =	sand.u32 $0x7, s21  }
0x8e: {  	s1 =	sshll.u32 s1, $0x9  }
0x8f: {  	s12 =	sshrl.u32 s1, $0x2  }
0x90: {  	v3 =	vmov s12;
	_ =	sdelay $0x2  }
0x91: {  	s15 =	sand.u32 $0x3FFFE000, s20  }
0x92: {  	s16 =	sadd.s32 s15, s19  }
0x93: {  	v4 =	vld.idx.msk [tilespmem:v3+s16+$0x30 ss:$0x1], $0xffff  }
0x94: {  	v5 =	vld.idx.msk [tilespmem:v3+s16+$0xFFFFFFD0 ss:$0x1], $0xffff  }
0x95: {  	v6 =	vld.idx.msk [tilespmem:v3+s16+$0xFFFFFFE0 ss:$0x1], $0xffff  }
0x96: {  	v7 =	vld.idx.msk [tilespmem:v3+s16+$0xFFFFFFF0 ss:$0x1], $0xffff  }
0x97: {  	v8 =	vld.idx.msk [tilespmem:v3+s16+$0x0 ss:$0x1], $0xffff  }
0x98: {  	s11 =	sadd.s32 s15, s18;
	v9 =	vld.idx.msk [tilespmem:v3+s16+$0x10 ss:$0x1], $0xffff  }
0x99: {  	s1 =	sadd.s32 s12, s11;
	v10 =	vld.idx.msk [tilespmem:v3+s16+$0xFFFFFFC0 ss:$0x1], $0xffff  }
0x9a: {  	s8 =	sadd.s32 s15, s26;
	[tilespmem:s1+$0x0] =	vst.add.f32.msk $0xffff, v4  }
0x9b: {  	s9 =	sadd.s32 s15, s28;
	s14 =	sadd.s32 s12, s8;
	v4 =	vld.idx.msk [tilespmem:v3+s16+$0x20 ss:$0x1], $0xffff  }
0x9c: {  	s23 =	sadd.s32 s12, s9;
	s1 =	sadd.s32 s15, s25;
	[tilespmem:s14+$0x0] =	vst.add.f32.msk $0xffff, v6  }
0x9d: {  	s17 =	sadd.s32 s15, s2;
	[tilespmem:s23+$0x0] =	vst.add.f32.msk $0xffff, v7;
	s10 =	sadd.s32 s12, s1  }
0x9e: {  	s23 =	sadd.s32 s12, s17;
	[tilespmem:s10+$0x0] =	vst.add.f32.msk $0xffff, v5;
	s10 =	sadd.s32 s15, s29  }
0x9f: {  	s14 =	sadd.s32 s15, s4;
	[tilespmem:s23+$0x0] =	vst.add.f32.msk $0xffff, v9;
	s22 =	sadd.s32 s12, s10  }
0xa0: {  	s24 =	sadd.s32 s12, s14;
	[tilespmem:s22+$0x0] =	vst.add.f32.msk $0xffff, v8;
	s22 =	sadd.s32 s15, s0  }
0xa1: {  	[tilespmem:s24+$0x0] =	vst.add.f32.msk $0xffff, v10;
	s24 =	sadd.s32 s12, s22  }
0xa2: {  	s16 =	sadd.s32 $0x400, s16;
	s15 =	simm.s32 $0x0;
	[tilespmem:s24+$0x0] =	vst.add.f32.msk $0xffff, v4  }
.LBB2_4:
0xa3: {  	v4 =	vld.idx.msk [tilespmem:v3+s16+$0x30 ss:$0x1], $0xffff;
	s15 =	sadd.s32 $0x80, s15  }
0xa4: {  	v5 =	vld.idx.msk [tilespmem:v3+s16+$0xFFFFFFD0 ss:$0x1], $0xffff;
	p0 =	slt.u32 s15, $0x380  }
0xa5: {  	v6 =	vld.idx.msk [tilespmem:v3+s16+$0xFFFFFFE0 ss:$0x1], $0xffff  }
0xa6: {  	v7 =	vld.idx.msk [tilespmem:v3+s16+$0xFFFFFFF0 ss:$0x1], $0xffff  }
0xa7: {  	s11 =	sadd.s32 $0x400, s11;
	v8 =	vld.idx.msk [tilespmem:v3+s16+$0x0 ss:$0x1], $0xffff  }
0xa8: {  	s23 =	sadd.s32 s12, s11;
	v9 =	vld.idx.msk [tilespmem:v3+s16+$0x10 ss:$0x1], $0xffff  }
0xa9: {  	[tilespmem:s23+$0x0] =	vst.add.f32.msk $0xffff, v4  }
0xaa: {  	s1 =	sadd.s32 $0x400, s1;
	v4 =	vld.idx.msk [tilespmem:v3+s16+$0x20 ss:$0x1], $0xffff  }
0xab: {  	s8 =	sadd.s32 $0x400, s8;
	s23 =	sadd.s32 s12, s1;
	v10 =	vld.idx.msk [tilespmem:v3+s16+$0xFFFFFFC0 ss:$0x1], $0xffff  }
0xac: {  	s9 =	sadd.s32 $0x400, s9;
	[tilespmem:s23+$0x0] =	vst.add.f32.msk $0xffff, v5;
	s23 =	sadd.s32 s12, s8  }
0xad: {  	s10 =	sadd.s32 $0x400, s10;
	[tilespmem:s23+$0x0] =	vst.add.f32.msk $0xffff, v6;
	s23 =	sadd.s32 s12, s9  }
.Ltmp0:
0xae: {  	s17 =	sadd.s32 $0x400, s17;
	[tilespmem:s23+$0x0] =	vst.add.f32.msk $0xffff, v7;
	s23 =	sadd.s32 s12, s10;
	(pc) =	sbr.rel @p0 .LBB2_4-.Ltmp0, $4  }
0xaf: {  	s14 =	sadd.s32 $0x400, s14;
	[tilespmem:s23+$0x0] =	vst.add.f32.msk $0xffff, v8;
	s23 =	sadd.s32 s12, s17  }
0xb0: {  	s22 =	sadd.s32 $0x400, s22;
	s24 =	sadd.s32 s12, s14;
	[tilespmem:s23+$0x0] =	vst.add.f32.msk $0xffff, v9  }
0xb1: {  	s23 =	sadd.s32 s12, s22;
	[tilespmem:s24+$0x0] =	vst.add.f32.msk $0xffff, v10  }
0xb2: {  	s16 =	sadd.s32 $0x400, s16;
	[tilespmem:s23+$0x0] =	vst.add.f32.msk $0xffff, v4  }
0xb3: {  	s3 =	sadd.s32 $0x1, s3  }
0xb4: {  	p0 =	sne.s32 s3, $0x10  }
.Ltmp1:
0xb5: {  	_ = 	snop;
	(pc) =	sbr.rel @p0 .LBB2_3-.Ltmp1, $2  }
0xb6: {  	_ =	sdelay $0x2  }
0xb7: {  	s21 =	sadd.s32 $0x1, s21;
	s20 =	sadd.s32 $0x400, s20  }
0xb8: {  	p0 =	sgt.u32 s13, $0x3C  }
0xb9: {  	p1 =	slt.u32 @!p0 s13, $0x2  }
0xba: {  	s2 =	rddreg [dreg:$0x19];
	p1 =	por p1, p0  }
0xbb: {  	s3 =	rddreg [dreg:$0x17];
	s0 =	sadd.s32 @!p1 $0xFFFFFFFE, s13  }
0xbc: {  	s4 =	rddreg [dreg:$0xd];
	s1 =	sand.u32 @!p1 $0xFF, s0  }
0xbd: {  	s25 =	rddreg [dreg:$0x18];
	s1 =	smul.u32 @!p1 $0xCD, s1  }
0xbe: {  	s26 =	simm.s32 $0x0;
	s8 =	rddreg [dreg:$0x1a];
	s2 =	sshll.u32 s2, $0xB  }
0xbf: {  	s3 =	sshll.u32 s3, $0x14;
	s2 =	sadd.s32 s2, s4;
	s1 =	sshrl.u32 @!p1 s1, $0xA  }
0xc0: {  	s4 =	sadd.s32 $0x8, s25;
	s2 =	sadd.s32 s3, s2;
	s1 =	smul.u32 @!p1 $0x5, s1  }
0xc1: {  	[hbm4b:s2+s26] =	stream.linear.scatter [tilespmem:s8], [sflag:s4], $0x4000, $0x38;
	[tilespmem:$0x1C400] =	vst v63  }
0xc2: {  	s0 =	ssub.s32 @!p1 s0, s1;
	s1 =	sadd.s32 $0x3, s13  }
0xc3: {  	s0 =	sor.u32 @!p1 $0x8, s0;
	s2 =	sshll.u32 @!p0 s1, $0x4  }
0xc4: {  	s3 =	sshll.u32 @!p0 s1, $0x7;
	s4 =	sshll.u32 @!p0 s1, $0x2;
	s0 =	sand.u32 @!p1 $0xFF, s0  }
0xc5: {  	s2 =	sand.u32 @!p0 $0x600, s2;
	s3 =	sand.u32 @!p0 $0x180, s3;
	_ =	swait.ge @!p1 [sflag:s0], $0x4000  }
0xc6: {  	s4 =	sand.u32 @!p0 $0x70, s4;
	s2 =	sor.u32 @!p0 s3, s2;
	[sflag:s0] =	ssyncset.done @!p1 $0x0  }
0xc7: {  	[sflag:s0] =	ssyncadd.s32 @!p1 $0xFFFFC000;
	s0 =	sor.u32 @!p0 s4, s2  }
0xc8: {  	v3 =	vld @!p0 [tilespmem:s0+$0x0];
	_ =	sdelay $0x4  }
0xc9: {  	s0 =	smul.u32 @!p0 $0xCD, s1;
	v4 =	vshll.u32 @!p0 v3, $0x3  }
0xca: {  	v5 =	vlaneseq.u32 @!p0;
	v3 =	vand.u32 @!p0 $0x7, v3;
	v4 =	vand.u32 @!p0 $0xFFFFFFC0, v4  }
0xcb: {  	v6 =	vshrl.u32 @!p0 v5, $0x3;
	s0 =	sshrl.u32 @!p0 s0, $0xA;
	v3 =	vor.u32 @!p0 v3, v4;
	v4 =	vand.u32 @!p0 $0x7, v5  }
0xcc: {  	v6 =	vmul.u32 @!p0 $0x8, v6;
	s0 =	sand.u32 @!p0 $0x3F, s0;
	v4 =	vperm.xlane @!p0 v3, v4  }
0xcd: {  	s0 =	smul.u32 @!p0 $0x5, s0  }
0xce: {  	v4 =	vadd.s32 @!p0 v6, v4  }
0xcf: {  	s0 =	ssub.s32 @!p0 s1, s0  }
0xd0: {  	s0 =	sand.u32 @!p0 $0xFF, s0  }
0xd1: {  	s3 =	simm.s32 @!p0 $0x0;
	s1 =	sshll.u32 @!p0 s0, $0xE  }
0xd2: {  	vm1 =	vmmov @!p0 $0xffff;
	s4 =	rddreg [dreg:$0x1];
	s0 =	sadd.s32 @!p0 $0x1, s0;
	s2 =	sor.u32 @!p0 $0x400, s1  }
0xd3: {  	v5 =	vor.u32 @!p0 $0x8, v5;
	[tilespmem:s2], [sflag:s0] =	stream.indirect_vreg.gather @!p0 [hbm4b:s4+s3], $0x80, v4, vm1, $0xb8;
	[tilespmem:$0x1C400] =	vst v63  }
0xd4: {  	s8 =	rddreg [dreg:$0x9];
	v3 =	vperm.xlane @!p0 v3, v5;
	s2 =	sor.u32 @!p0 $0xC00, s1  }
0xd5: {  	[tilespmem:s2], [sflag:s0] =	stream.indirect_vreg.gather @!p0 [hbm4b:s8+s3], $0x80, v4, vm1, $0xb8;
	[tilespmem:$0x1C400] =	vst v63  }
0xd6: {  	s9 =	rddreg [dreg:$0xa];
	v3 =	vadd.s32 @!p0 v6, v3;
	s2 =	sor.u32 @!p0 $0x1400, s1  }
0xd7: {  	[tilespmem:s2], [sflag:s0] =	stream.indirect_vreg.gather @!p0 [hbm4b:s9+s3], $0x80, v4, vm1, $0xb8;
	[tilespmem:$0x1C400] =	vst v63  }
0xd8: {  	s10 =	rddreg [dreg:$0xb];
	s2 =	sor.u32 @!p0 $0x1C00, s1  }
0xd9: {  	[tilespmem:s2], [sflag:s0] =	stream.indirect_vreg.gather @!p0 [hbm4b:s10+s3], $0x80, v4, vm1, $0xb8;
	[tilespmem:$0x1C400] =	vst v63  }
0xda: {  	s2 =	sor.u32 @!p0 $0x2400, s1  }
0xdb: {  	[tilespmem:s2], [sflag:s0] =	stream.indirect_vreg.gather @!p0 [hbm4b:s4+s3], $0x80, v3, vm1, $0xb8;
	[tilespmem:$0x1C400] =	vst v63  }
0xdc: {  	s2 =	sor.u32 @!p0 $0x2C00, s1  }
0xdd: {  	[tilespmem:s2], [sflag:s0] =	stream.indirect_vreg.gather @!p0 [hbm4b:s8+s3], $0x80, v3, vm1, $0xb8;
	[tilespmem:$0x1C400] =	vst v63  }
0xde: {  	s2 =	sor.u32 @!p0 $0x3400, s1  }
0xdf: {  	[tilespmem:s2], [sflag:s0] =	stream.indirect_vreg.gather @!p0 [hbm4b:s9+s3], $0x80, v3, vm1, $0xb8;
	[tilespmem:$0x1C400] =	vst v63  }
0xe0: {  	s13 =	sadd.s32 $0x1, s13;
	s1 =	sor.u32 @!p0 $0x3C00, s1  }
0xe1: {  	[tilespmem:s1], [sflag:s0] =	stream.indirect_vreg.gather @!p0 [hbm4b:s10+s3], $0x80, v3, vm1, $0xb8;
	[tilespmem:$0x1C400] =	vst v63  }
0xe2: {  	p0 =	sne.s32 s13, $0x40  }
.Ltmp2:
0xe3: {  	_ = 	snop;
	(pc) =	sbr.rel @p0 .LBB2_2-.Ltmp2, $4  }
0xe4: {  	s30 =	sadd.s32 $0x4000, s30;
	s28 =	rddreg [dreg:$0x14]  }
0xe5: {  	s31 =	sadd.s32 $0x4000, s31;
	s5 =	sadd.s32 $0x4000, s5;
	s29 =	rddreg [dreg:$0x15]  }
0xe6: {  	s6 =	sadd.s32 $0x4000, s6;
	s7 =	sadd.s32 $0x4000, s7;
	s11 =	rddreg [dreg:$0x16]  }
0xe7: {  	s11 =	sadd.s32 $0x4000, s11;
	s9 =	sadd.s32 $0x4000, s28;
	s10 =	sadd.s32 $0x4000, s29  }
0xe8: {  	s0 =	simm.s32 $0xC  }
0xe9: {  	_ =	swait.ge [sflag:s0], $0x4000  }
0xea: {  	[sflag:s0] =	ssyncset.done $0x0  }
0xeb: {  	s28 =	simm.s32 $0x8;
	[sflag:s0] =	ssyncadd.s32 $0xFFFFC000  }
0xec: {  	_ =	swait.ge [sflag:s28], $0x4000  }
0xed: {  	[sflag:s28] =	ssyncset.done $0x0  }
0xee: {  	s29 =	simm.s32 $0x9;
	[sflag:s28] =	ssyncadd.s32 $0xFFFFC000  }
0xef: {  	_ =	swait.ge [sflag:s29], $0x4000  }
0xf0: {  	[sflag:s29] =	ssyncset.done $0x0  }
0xf1: {  	s30 =	simm.s32 $0xA;
	[sflag:s29] =	ssyncadd.s32 $0xFFFFC000  }
0xf2: {  	_ =	swait.ge [sflag:s30], $0x4000  }
0xf3: {  	[sflag:s30] =	ssyncset.done $0x0  }
0xf4: {  	s1 =	simm.s32 $0xB;
	[sflag:s30] =	ssyncadd.s32 $0xFFFFC000  }
0xf5: {  	_ =	swait.ge [sflag:s1], $0x4000  }
0xf6: {  	s2 =	rddreg [dreg:$0x13]  }
0xf7: {  	s31 =	rddreg [dreg:$0xe];
	s2 =	sadd.s32 $0x1, s2  }
0xf8: {  	p0 =	sne.s32 s2, s31  }
.Ltmp3:
0xf9: {  	_ = 	snop;
	(pc) =	sbr.rel @p0 .LBB2_1-.Ltmp3, $3  }
0xfa: {  	_ =	sdelay $0x1  }
0xfb: {  	[sflag:s1] =	ssyncset.done $0x0  }
0xfc: {  	[sflag:s1] =	ssyncadd.s32 $0xFFFFC000  }
0xfd: {  	_ =	sfence.sel $0x180000  }
0xfe: {  	[bflag:$0x0] =	sbarrier.arrive $0xFFFF  }
0xff: {  	_ =	strace $0x90000047  }
0x100: {  	s0 =	stileid.u32;
	[bflag:$0x2] =	sbarrier.arrive $0xFFFF  }
0x101: {  	p0 =	sne.s32 s0, $0x0;
	s0 =	rddreg [dreg:$0x4]  }
0x102: {  	s0 =	sadd.s32 @!p0 $0x100000, s0  }
0x103: {  	[sflag:s0] =	ssyncadd.tile.s32 @!p0 $0x1;
	_ =	shalt  }
.Lfunc_end2:
_tile_overlayer_lowered:
.L_overlay_start_2:
0x104: {  	(tag) =	ssettag $0x2  }
0x105: {  	s0 =	rddreg [dreg:$0x0];
	s2 =	stileid.u32  }
0x106: {  	s1 =	rddreg [dreg:$0x1];
	p0 =	sne.s32 s2, $0x0  }
0x107: {  	s3 =	rddreg [dreg:$0x2];
	[bflag:$0x3] =	sbarrier.arrive $0xFFFF;
	s2 =	simm.s32 @!p0 $0x1C0D  }
0x108: {  	[timem:s3], [sflag:s2] =	dma.local @!p0 [hbm:s0], s1  }
0x109: {  	s0 =	simm.s32 @!p0 $0xD  }
0x10a: {  	_ =	swait.ge @!p0 [sflag:s0], s1  }
0x10b: {  	s1 =	ssub.s32 @!p0 $0x0, s1;
	[sflag:s0] =	ssyncset.done @!p0 $0x0  }
0x10c: {  	[sflag:s0] =	ssyncadd.s32 @!p0 s1  }
0x10d: {  	[bflag:$0x3] =	sbarrier.arrive $0xFFFF  }
0x10e: {  	_ =	shalt  }

</sc_bundles>
